<compile_context>
chip_gen: v7x
topology: tpu7x:2x2x1
jax: 0.10.2.dev20260603
libtpu: 0.0.44.dev20260713+nightly
codegen_flags: <defaults>
</compile_context>

<pallas_src>
import functools

import jax
import jax.numpy as jnp
from jax import lax
from jax.experimental import pallas as pl
from jax.experimental.pallas import tpu as pltpu
from jax.experimental.pallas import tpu_sc as plsc

N, E, D, H, HD = 10000, 320000, 128, 8, 16

NC, NS = 2, 16
NW = NC * NS
EPW = E // NW
K = 80
NCH = EPW // K
NP = 10240
RPT = NP // NS



def _sc_edges(src_hbm, dst_hbm, xp_hbm, es_hbm, ed_hbm, z128_hbm,
              acc_out, den_out,
              acc_sh, sidx, didx, xp_rows, es_rows, ed_rows, wexp, sem):
    c = lax.axis_index("c")
    s = lax.axis_index("s")
    wid = c * NS + s
    rb = s * RPT

    pltpu.sync_copy(z128_hbm.at[pl.ds(0, K)], wexp)

    def zero_acc(j, carry):
        pltpu.sync_copy(wexp, acc_sh.at[pl.ds(rb + j * K, K)])
        return carry

    def copy_out(out_ref):
        def body(j, carry):
            pltpu.sync_copy(acc_sh.at[pl.ds(rb + j * K, K)], xp_rows)
            pltpu.sync_copy(xp_rows, out_ref.at[pl.ds(c * NP + rb + j * K, K)])
            return carry

        lax.fori_loop(0, RPT // K, body, 0)

    def make_chunk(do_msg):
        def chunk(i, carry):
            base = wid * EPW + i * K
            pltpu.sync_copy(src_hbm.at[pl.ds(base, K)], sidx)
            pltpu.sync_copy(dst_hbm.at[pl.ds(base, K)], didx)
            g1 = pltpu.async_copy(es_hbm.at[sidx], es_rows, sem)
            g2 = pltpu.async_copy(ed_hbm.at[didx], ed_rows, sem)
            g3 = pltpu.async_copy(xp_hbm.at[sidx], xp_rows, sem) if do_msg else None
            g1.wait()
            g2.wait()
            if do_msg:
                g3.wait()

            def eloop(e, carry2):
                v = es_rows[e, pl.ds(0, 16)] + ed_rows[e, pl.ds(0, 16)]
                v = jnp.where(v >= 0.0, v, 0.2 * v)
                w = jnp.exp(v)
                for h in range(H):
                    if do_msg:
                        xv = xp_rows[e, pl.ds(h * HD, HD)]
                        xp_rows[e, pl.ds(h * HD, HD)] = xv * w[h]
                    else:
                        wexp[e, pl.ds(h * HD, HD)] = jnp.broadcast_to(w[h], (HD,))
                return carry2

            lax.fori_loop(0, K, eloop, 0)
            pltpu.sync_copy(xp_rows if do_msg else wexp, acc_sh.at[didx], add=True)
            return carry

        return chunk

    lax.fori_loop(0, RPT // K, zero_acc, 0)
    plsc.subcore_barrier()
    lax.fori_loop(0, NCH, make_chunk(True), 0)
    plsc.subcore_barrier()
    copy_out(acc_out)
    plsc.subcore_barrier()
    lax.fori_loop(0, RPT // K, zero_acc, 0)
    plsc.subcore_barrier()
    lax.fori_loop(0, NCH, make_chunk(False), 0)
    plsc.subcore_barrier()
    copy_out(den_out)


def _make_sc_call():
    mesh = plsc.VectorSubcoreMesh(core_axis_name="c", subcore_axis_name="s")
    return pl.kernel(
        _sc_edges,
        out_type=[
            jax.ShapeDtypeStruct((2 * NP, D), jnp.float32),
            jax.ShapeDtypeStruct((2 * NP, D), jnp.float32),
        ],
        mesh=mesh,
        scratch_types=[
            pltpu.VMEM_SHARED((NP, D), jnp.float32),
            pltpu.VMEM((K,), jnp.int32),
            pltpu.VMEM((K,), jnp.int32),
            pltpu.VMEM((K, D), jnp.float32),
            pltpu.VMEM((K, D), jnp.float32),
            pltpu.VMEM((K, D), jnp.float32),
            pltpu.VMEM((K, D), jnp.float32),
            pltpu.SemaphoreType.DMA,
        ],
    )



B = 1000
G = N // B


def _tc_pre(x_ref, wall_ref, as_ref, ad_ref, xp_ref, es_ref, ed_ref):
    xp = jnp.dot(x_ref[...], wall_ref[...], preferred_element_type=jnp.float32)
    xp_ref[...] = xp
    es_ref[...] = jnp.dot(xp, as_ref[...], preferred_element_type=jnp.float32)
    ed_ref[...] = jnp.dot(xp, ad_ref[...], preferred_element_type=jnp.float32)


def _tc_mid(a0_ref, a1_ref, d0_ref, d1_ref, bias_ref, wfct_ref,
            bfc_ref, gam_ref, bet_ref, xl_ref, xs_ref):
    acc = a0_ref[...] + a1_ref[...]
    den = d0_ref[...] + d1_ref[...]
    x_local = acc / (den + 1e-16) + bias_ref[...]

    sa = jnp.dot(x_local, wfct_ref[...],
                 preferred_element_type=jnp.float32) + bfc_ref[...]
    sa = jnp.where(sa >= 0.0, sa, 0.01 * sa)
    m = jnp.max(sa, axis=1, keepdims=True)
    p = jnp.exp(sa - m)
    sa = p / jnp.sum(p, axis=1, keepdims=True)

    xl = x_local * sa
    xl = jnp.where(xl >= 0.0, xl, 0.2 * xl)
    xl = jnp.dot(xl, wfct_ref[...],
                 preferred_element_type=jnp.float32) + bfc_ref[...]

    mu = jnp.mean(xl, axis=1, keepdims=True)
    xc = xl - mu
    var = jnp.mean(xc * xc, axis=1, keepdims=True)
    xl = xc * lax.rsqrt(var + 1e-5) * gam_ref[...] + bet_ref[...]

    nrm = jnp.sqrt(jnp.sum(xl * xl, axis=1, keepdims=True))
    xl = xl / jnp.maximum(nrm, 1e-12)

    xl_ref[...] = xl
    part = jnp.broadcast_to(jnp.sum(xl, axis=0, keepdims=True), (8, D))

    @pl.when(pl.program_id(0) == 0)
    def _():
        xs_ref[...] = part

    @pl.when(pl.program_id(0) != 0)
    def _():
        xs_ref[...] = xs_ref[...] + part


def _tc_fin(xs_ref, wgt_ref, bg_ref, xl_ref, out_ref):
    xg = jnp.sum(xs_ref[...], axis=0, keepdims=True) * (1.0 / (8.0 * N))
    g = jnp.dot(xg, wgt_ref[...], preferred_element_type=jnp.float32) + bg_ref[...]
    g = jnp.maximum(g, 0.0)
    m = jnp.max(g, axis=1, keepdims=True)
    p = jnp.exp(g - m)
    ga = p / jnp.sum(p, axis=1, keepdims=True)
    out_ref[...] = xl_ref[...] * ga


def kernel(x, edge_index, Wh, att_src, att_dst, bias_h, W_fc, b_fc,
           ln_gamma, ln_beta, W_g, b_g):
    f32 = jnp.float32
    W_all = jnp.transpose(Wh, (1, 0, 2)).reshape(D, H * HD)
    KR = jnp.kron(jnp.eye(H, dtype=f32), jnp.ones((HD, 1), dtype=f32))
    padw = jnp.zeros((H * HD, 120), f32)
    A_s = jnp.concatenate([att_src.reshape(H * HD)[:, None] * KR, padw], 1)
    A_d = jnp.concatenate([att_dst.reshape(H * HD)[:, None] * KR, padw], 1)
    bias_flat = bias_h.reshape(1, H * HD)
    src = edge_index[0]
    dst = edge_index[1]

    xp, es, ed = pl.pallas_call(
        _tc_pre,
        grid=(G,),
        in_specs=[
            pl.BlockSpec((B, D), lambda i: (i, 0)),
            pl.BlockSpec((D, D), lambda i: (0, 0)),
            pl.BlockSpec((D, D), lambda i: (0, 0)),
            pl.BlockSpec((D, D), lambda i: (0, 0)),
        ],
        out_specs=[
            pl.BlockSpec((B, D), lambda i: (i, 0)),
            pl.BlockSpec((B, D), lambda i: (i, 0)),
            pl.BlockSpec((B, D), lambda i: (i, 0)),
        ],
        out_shape=[
            jax.ShapeDtypeStruct((N, D), f32),
            jax.ShapeDtypeStruct((N, D), f32),
            jax.ShapeDtypeStruct((N, D), f32),
        ],
    )(x, W_all, A_s, A_d)

    z128 = jnp.zeros((NP, D), f32)
    acc2, den2 = _make_sc_call()(src, dst, xp, es, ed, z128)

    xl, xs = pl.pallas_call(
        _tc_mid,
        grid=(G,),
        in_specs=[
            pl.BlockSpec((B, D), lambda i: (i, 0)),
            pl.BlockSpec((B, D), lambda i: (i, 0)),
            pl.BlockSpec((B, D), lambda i: (i, 0)),
            pl.BlockSpec((B, D), lambda i: (i, 0)),
            pl.BlockSpec((1, D), lambda i: (0, 0)),
            pl.BlockSpec((D, D), lambda i: (0, 0)),
            pl.BlockSpec((1, D), lambda i: (0, 0)),
            pl.BlockSpec((1, D), lambda i: (0, 0)),
            pl.BlockSpec((1, D), lambda i: (0, 0)),
        ],
        out_specs=[
            pl.BlockSpec((B, D), lambda i: (i, 0)),
            pl.BlockSpec((8, D), lambda i: (0, 0)),
        ],
        out_shape=[
            jax.ShapeDtypeStruct((N, D), f32),
            jax.ShapeDtypeStruct((8, D), f32),
        ],
    )(acc2[:N], acc2[NP:NP + N], den2[:N], den2[NP:NP + N], bias_flat,
      W_fc.T, b_fc.reshape(1, D), ln_gamma.reshape(1, D), ln_beta.reshape(1, D))

    out = pl.pallas_call(
        _tc_fin,
        grid=(G,),
        in_specs=[
            pl.BlockSpec((8, D), lambda i: (0, 0)),
            pl.BlockSpec((D, D), lambda i: (0, 0)),
            pl.BlockSpec((1, D), lambda i: (0, 0)),
            pl.BlockSpec((B, D), lambda i: (i, 0)),
        ],
        out_specs=pl.BlockSpec((B, D), lambda i: (i, 0)),
        out_shape=jax.ShapeDtypeStruct((N, D), f32),
    )(xs, W_g.T, b_g.reshape(1, D), xl)

    return out

# --- scband reference (transcript-rebuilt; emitter-appended) ---
"""Pipeline reference for scband-gat-12120397709622 (READ-ONLY COPY).

The authoritative reference and input builder live on the scoring server;
editing this copy changes nothing except your own understanding.
"""

import jax, jax.numpy as jnp
import numpy as np

N, E, D, H, HD = 10000, 320000, 128, 8, 16


def leaky(v, s):
    return jnp.where(v >= 0, v, s * v)


def setup_inputs(seed: int = 0) -> dict:
    key = jax.random.key(seed)
    ks = jax.random.split(key, 12)
    x = jax.random.normal(ks[0], (N, D), dtype=jnp.float32)
    edge_index = jax.random.randint(ks[1], (2, E), 0, N, dtype=jnp.int32)
    Wh = jax.random.normal(ks[2], (H, D, HD), dtype=jnp.float32) * (1.0 / np.sqrt(D))
    att_src = jax.random.normal(ks[3], (H, HD), dtype=jnp.float32) * (1.0 / np.sqrt(HD))
    att_dst = jax.random.normal(ks[4], (H, HD), dtype=jnp.float32) * (1.0 / np.sqrt(HD))
    bias_h = jnp.zeros((H, HD), dtype=jnp.float32)
    W_fc = jax.random.normal(ks[5], (D, D), dtype=jnp.float32) * (1.0 / np.sqrt(D))
    b_fc = jnp.zeros((D,), dtype=jnp.float32)
    ln_gamma = jnp.ones((D,), dtype=jnp.float32)
    ln_beta = jnp.zeros((D,), dtype=jnp.float32)
    W_g = jax.random.normal(ks[6], (D, D), dtype=jnp.float32) * (1.0 / np.sqrt(D))
    b_g = jnp.zeros((D,), dtype=jnp.float32)
    return {"x": x, "edge_index": edge_index, "Wh": Wh, "att_src": att_src,
            "att_dst": att_dst, "bias_h": bias_h, "W_fc": W_fc, "b_fc": b_fc,
            "ln_gamma": ln_gamma, "ln_beta": ln_beta, "W_g": W_g, "b_g": b_g}


def reference(x, edge_index, Wh, att_src, att_dst, bias_h, W_fc, b_fc, ln_gamma, ln_beta, W_g, b_g):
    src = edge_index[0]
    dst = edge_index[1]
    n = x.shape[0]

    def head(W, a_s, a_d, b):
        # GATConv (heads=1): linear transform, edge attention, segment softmax over dst
        xp = x @ W  # [N, HD]
        es = xp @ a_s  # [N]
        ed = xp @ a_d  # [N]
        e = leaky(es[src] + ed[dst], 0.2)  # [E]
        m = jax.ops.segment_max(e, dst, num_segments=n)
        m = jnp.where(jnp.isfinite(m), m, 0.0)
        a = jnp.exp(e - m[dst])
        denom = jax.ops.segment_sum(a, dst, num_segments=n)
        alpha = a / (denom[dst] + 1e-16)
        out = jax.ops.segment_sum(alpha[:, None] * xp[src], dst, num_segments=n)
        return out + b

    outs = jax.vmap(head)(Wh, att_src, att_dst, bias_h)  # [H, N, HD]
    x_local = jnp.transpose(outs, (1, 0, 2)).reshape(n, -1)  # [N, H*HD]

    # dropout p=0.2 is identity in eval mode
    sa = leaky(x_local @ W_fc.T + b_fc, 0.01)  # F.leaky_relu default slope 0.01
    sa = jax.nn.softmax(sa, axis=-1)
    xl = x_local * sa
    xl = leaky(xl, 0.2)  # self.leakyrelu(0.2)
    xl = xl @ W_fc.T + b_fc
    mu = jnp.mean(xl, axis=-1, keepdims=True)
    var = jnp.var(xl, axis=-1, keepdims=True)
    xl = (xl - mu) / jnp.sqrt(var + 1e-5) * ln_gamma + ln_beta
    norm = jnp.linalg.norm(xl, axis=1, keepdims=True)
    xl = xl / jnp.maximum(norm, 1e-12)
    xg = jnp.mean(xl, axis=0)
    ga = jax.nn.softmax(jax.nn.relu(xg @ W_g.T + b_g), axis=-1)
    return xl * ga

if __name__ == "__main__":
    import jax
    _d = setup_inputs()
    print(jax.jit(kernel)(*tuple(_d.values())))

</pallas_src>

<mosaic_0001>
#map = affine_map<(d0, d1) -> (0)>
#map1 = affine_map<(d0, d1) -> (0, 0)>
module attributes {stable_mosaic.version = 14 : i64} {
  func.func @_sc_edges(%arg0: i32, %arg1: i32, %arg2: memref<320000xi32, #tpu.memory_space<hbm>>, %arg3: memref<320000xi32, #tpu.memory_space<hbm>>, %arg4: memref<10000x128xf32, #tpu.memory_space<hbm>>, %arg5: memref<10000x128xf32, #tpu.memory_space<hbm>>, %arg6: memref<10000x128xf32, #tpu.memory_space<hbm>>, %arg7: memref<10240x128xf32, #tpu.memory_space<hbm>>, %arg8: memref<20480x128xf32, #tpu.memory_space<hbm>>, %arg9: memref<20480x128xf32, #tpu.memory_space<hbm>>, %arg10: memref<10240x128xf32, #tpu.memory_space<vmem_shared>>, %arg11: memref<80xi32, #tpu.memory_space<vmem>>, %arg12: memref<80xi32, #tpu.memory_space<vmem>>, %arg13: memref<80x128xf32, #tpu.memory_space<vmem>>, %arg14: memref<80x128xf32, #tpu.memory_space<vmem>>, %arg15: memref<80x128xf32, #tpu.memory_space<vmem>>, %arg16: memref<80x128xf32, #tpu.memory_space<vmem>>, %arg17: memref<!tpu.dma_semaphore, #tpu.memory_space<semaphore_mem>>) attributes {dimension_semantics = [#tpu.dimension_semantics<core_parallel>, #tpu.dimension_semantics<subcore_parallel>], iteration_bounds = array<i64: 2, 16>, scalar_prefetch = 0 : i64, scratch_operands = 8 : i64, tpu.core_type = #tpu.core_type<sc_vector_subcore>, window_params = [{transform_indices = #map}, {transform_indices = #map}, {transform_indices = #map1}, {transform_indices = #map1}, {transform_indices = #map1}, {transform_indices = #map1}, {transform_indices = #map1}, {transform_indices = #map1}]} {
    %mul3A = arith.constant 16 : i32
    %mul3A_0 = arith.muli %arg0, %mul3A : i32
    %add3A = arith.addi %mul3A_0, %arg1 : i32
    %mul3A_1 = arith.constant 640 : i32
    %mul3A_2 = arith.muli %arg1, %mul3A_1 : i32
    "tpu.region"() ({
      %run_scoped3A = tpu.sem_alloc : memref<!tpu.dma_semaphore, #tpu.memory_space<semaphore_mem>>
      %dma_start3A = arith.constant 0 : i32
      %dma_start3A_42 = arith.constant 0 : i32
      %dma_start3A_43 = tpu.memref_slice %arg7[%dma_start3A, %dma_start3A_42] : memref<10240x128xf32, #tpu.memory_space<hbm>> -> memref<80x128xf32, #tpu.memory_space<hbm>>
      %dma_start3A_44 = arith.constant 0 : i32
      %dma_start3A_45 = arith.constant 0 : i32
      %dma_start3A_46 = tpu.memref_slice %arg7[%dma_start3A_44, %dma_start3A_45] : memref<10240x128xf32, #tpu.memory_space<hbm>> -> memref<80x128xf32, #tpu.memory_space<hbm>>
      tpu.enqueue_dma source(%dma_start3A_46 : memref<80x128xf32, #tpu.memory_space<hbm>>) target(%arg16 : memref<80x128xf32, #tpu.memory_space<vmem>>) target_semaphore(%run_scoped3A : memref<!tpu.dma_semaphore, #tpu.memory_space<semaphore_mem>>)
      %dma_wait3A = arith.constant 0 : i32
      %dma_wait3A_47 = arith.constant 0 : i32
      %dma_wait3A_48 = tpu.memref_slice %arg7[%dma_wait3A, %dma_wait3A_47] : memref<10240x128xf32, #tpu.memory_space<hbm>> -> memref<80x128xf32, #tpu.memory_space<hbm>>
      %dma_wait3A_49 = arith.constant 0 : i32
      %dma_wait3A_50 = arith.constant 0 : i32
      %dma_wait3A_51 = tpu.memref_slice %arg7[%dma_wait3A_49, %dma_wait3A_50] : memref<10240x128xf32, #tpu.memory_space<hbm>> -> memref<80x128xf32, #tpu.memory_space<hbm>>
      tpu.wait_dma2 semaphore(%run_scoped3A : memref<!tpu.dma_semaphore, #tpu.memory_space<semaphore_mem>>) src(%dma_wait3A_51 : memref<80x128xf32, #tpu.memory_space<hbm>>) dst(%arg16 : memref<80x128xf32, #tpu.memory_space<vmem>>)
      tpu.yield
    }) : () -> ()
    %scan3A = arith.constant 0 : i32
    %scan3A_3 = arith.constant 0 : i32
    %scan3A_4 = arith.constant 8 : i32
    %scan3A_5 = arith.addi %scan3A_3, %scan3A_4 : i32
    %scan3A_6 = arith.constant 1 : i32
    scf.for %scan3A_42 = %scan3A_3 to %scan3A_5 step %scan3A_6  : i32 {
      %mul3A_43 = arith.constant 80 : i32
      %mul3A_44 = arith.muli %scan3A_42, %mul3A_43 : i32
      %add3A_45 = arith.addi %mul3A_2, %mul3A_44 : i32
      "tpu.region"() ({
        %run_scoped3A = tpu.sem_alloc : memref<!tpu.dma_semaphore, #tpu.memory_space<semaphore_mem>>
        %dma_start3A = arith.constant 0 : i32
        %dma_start3A_46 = tpu.memref_slice %arg10[%add3A_45, %dma_start3A] : memref<10240x128xf32, #tpu.memory_space<vmem_shared>> -> memref<80x128xf32, #tpu.memory_space<vmem_shared>>
        %dma_start3A_47 = arith.constant 0 : i32
        %dma_start3A_48 = tpu.memref_slice %arg10[%add3A_45, %dma_start3A_47] : memref<10240x128xf32, #tpu.memory_space<vmem_shared>> -> memref<80x128xf32, #tpu.memory_space<vmem_shared>>
        tpu.enqueue_dma source(%arg16 : memref<80x128xf32, #tpu.memory_space<vmem>>) target(%dma_start3A_48 : memref<80x128xf32, #tpu.memory_space<vmem_shared>>) target_semaphore(%run_scoped3A : memref<!tpu.dma_semaphore, #tpu.memory_space<semaphore_mem>>)
        %dma_wait3A = arith.constant 0 : i32
        %dma_wait3A_49 = tpu.memref_slice %arg10[%add3A_45, %dma_wait3A] : memref<10240x128xf32, #tpu.memory_space<vmem_shared>> -> memref<80x128xf32, #tpu.memory_space<vmem_shared>>
        %dma_wait3A_50 = arith.constant 0 : i32
        %dma_wait3A_51 = tpu.memref_slice %arg10[%add3A_45, %dma_wait3A_50] : memref<10240x128xf32, #tpu.memory_space<vmem_shared>> -> memref<80x128xf32, #tpu.memory_space<vmem_shared>>
        tpu.wait_dma2 semaphore(%run_scoped3A : memref<!tpu.dma_semaphore, #tpu.memory_space<semaphore_mem>>) src(%arg16 : memref<80x128xf32, #tpu.memory_space<vmem>>) dst(%dma_wait3A_51 : memref<80x128xf32, #tpu.memory_space<vmem_shared>>)
        tpu.yield
      }) : () -> ()
    }
    %scan3A_7 = arith.constant 8 : i32
    %barrier3A = arith.constant 0 : index
    tpu.barrier barrier_id(%barrier3A)
    %scan3A_8 = arith.constant 0 : i32
    %scan3A_9 = arith.constant 0 : i32
    %scan3A_10 = arith.constant 125 : i32
    %scan3A_11 = arith.addi %scan3A_9, %scan3A_10 : i32
    %scan3A_12 = arith.constant 1 : i32
    scf.for %scan3A_42 = %scan3A_9 to %scan3A_11 step %scan3A_12  : i32 {
      %mul3A_43 = arith.constant 10000 : i32
      %mul3A_44 = arith.muli %add3A, %mul3A_43 : i32
      %mul3A_45 = arith.constant 80 : i32
      %mul3A_46 = arith.muli %scan3A_42, %mul3A_45 : i32
      %add3A_47 = arith.addi %mul3A_44, %mul3A_46 : i32
      "tpu.region"() ({
        %run_scoped3A = tpu.sem_alloc : memref<!tpu.dma_semaphore, #tpu.memory_space<semaphore_mem>>
        %dma_start3A_70 = tpu.memref_slice %arg2[%add3A_47] : memref<320000xi32, #tpu.memory_space<hbm>> -> memref<80xi32, #tpu.memory_space<hbm>>
        %dma_start3A_71 = tpu.memref_slice %arg2[%add3A_47] : memref<320000xi32, #tpu.memory_space<hbm>> -> memref<80xi32, #tpu.memory_space<hbm>>
        tpu.enqueue_dma source(%dma_start3A_71 : memref<80xi32, #tpu.memory_space<hbm>>) target(%arg11 : memref<80xi32, #tpu.memory_space<vmem>>) target_semaphore(%run_scoped3A : memref<!tpu.dma_semaphore, #tpu.memory_space<semaphore_mem>>)
        %dma_wait3A_72 = tpu.memref_slice %arg2[%add3A_47] : memref<320000xi32, #tpu.memory_space<hbm>> -> memref<80xi32, #tpu.memory_space<hbm>>
        %dma_wait3A_73 = tpu.memref_slice %arg2[%add3A_47] : memref<320000xi32, #tpu.memory_space<hbm>> -> memref<80xi32, #tpu.memory_space<hbm>>
        tpu.wait_dma2 semaphore(%run_scoped3A : memref<!tpu.dma_semaphore, #tpu.memory_space<semaphore_mem>>) src(%dma_wait3A_73 : memref<80xi32, #tpu.memory_space<hbm>>) dst(%arg11 : memref<80xi32, #tpu.memory_space<vmem>>)
        tpu.yield
      }) : () -> ()
      "tpu.region"() ({
        %run_scoped3A = tpu.sem_alloc : memref<!tpu.dma_semaphore, #tpu.memory_space<semaphore_mem>>
        %dma_start3A_70 = tpu.memref_slice %arg3[%add3A_47] : memref<320000xi32, #tpu.memory_space<hbm>> -> memref<80xi32, #tpu.memory_space<hbm>>
        %dma_start3A_71 = tpu.memref_slice %arg3[%add3A_47] : memref<320000xi32, #tpu.memory_space<hbm>> -> memref<80xi32, #tpu.memory_space<hbm>>
        tpu.enqueue_dma source(%dma_start3A_71 : memref<80xi32, #tpu.memory_space<hbm>>) target(%arg12 : memref<80xi32, #tpu.memory_space<vmem>>) target_semaphore(%run_scoped3A : memref<!tpu.dma_semaphore, #tpu.memory_space<semaphore_mem>>)
        %dma_wait3A_72 = tpu.memref_slice %arg3[%add3A_47] : memref<320000xi32, #tpu.memory_space<hbm>> -> memref<80xi32, #tpu.memory_space<hbm>>
        %dma_wait3A_73 = tpu.memref_slice %arg3[%add3A_47] : memref<320000xi32, #tpu.memory_space<hbm>> -> memref<80xi32, #tpu.memory_space<hbm>>
        tpu.wait_dma2 semaphore(%run_scoped3A : memref<!tpu.dma_semaphore, #tpu.memory_space<semaphore_mem>>) src(%dma_wait3A_73 : memref<80xi32, #tpu.memory_space<hbm>>) dst(%arg12 : memref<80xi32, #tpu.memory_space<vmem>>)
        tpu.yield
      }) : () -> ()
      %dma_start3A = arith.constant 0 : i32
      %dma_start3A_48 = arith.constant 0 : i32
      %dma_start3A_49 = tpu.memref_slice %arg5[%dma_start3A, %dma_start3A_48] : memref<10000x128xf32, #tpu.memory_space<hbm>> -> memref<10000x128xf32, #tpu.memory_space<hbm>>
      tpu.enqueue_indirect_dma source(%dma_start3A_49 : memref<10000x128xf32, #tpu.memory_space<hbm>>) target(%arg14 : memref<80x128xf32, #tpu.memory_space<vmem>>) offsets(%arg11 : memref<80xi32, #tpu.memory_space<vmem>>) semaphore(%arg17 : memref<!tpu.dma_semaphore, #tpu.memory_space<semaphore_mem>>)
      %dma_start3A_50 = arith.constant 0 : i32
      %dma_start3A_51 = arith.constant 0 : i32
      %dma_start3A_52 = tpu.memref_slice %arg6[%dma_start3A_50, %dma_start3A_51] : memref<10000x128xf32, #tpu.memory_space<hbm>> -> memref<10000x128xf32, #tpu.memory_space<hbm>>
      tpu.enqueue_indirect_dma source(%dma_start3A_52 : memref<10000x128xf32, #tpu.memory_space<hbm>>) target(%arg15 : memref<80x128xf32, #tpu.memory_space<vmem>>) offsets(%arg12 : memref<80xi32, #tpu.memory_space<vmem>>) semaphore(%arg17 : memref<!tpu.dma_semaphore, #tpu.memory_space<semaphore_mem>>)
      %dma_start3A_53 = arith.constant 0 : i32
      %dma_start3A_54 = arith.constant 0 : i32
      %dma_start3A_55 = tpu.memref_slice %arg4[%dma_start3A_53, %dma_start3A_54] : memref<10000x128xf32, #tpu.memory_space<hbm>> -> memref<10000x128xf32, #tpu.memory_space<hbm>>
      tpu.enqueue_indirect_dma source(%dma_start3A_55 : memref<10000x128xf32, #tpu.memory_space<hbm>>) target(%arg13 : memref<80x128xf32, #tpu.memory_space<vmem>>) offsets(%arg11 : memref<80xi32, #tpu.memory_space<vmem>>) semaphore(%arg17 : memref<!tpu.dma_semaphore, #tpu.memory_space<semaphore_mem>>)
      %dma_wait3A = arith.constant 0 : i32
      %dma_wait3A_56 = arith.constant 0 : i32
      %dma_wait3A_57 = tpu.memref_slice %arg5[%dma_wait3A, %dma_wait3A_56] : memref<10000x128xf32, #tpu.memory_space<hbm>> -> memref<10000x128xf32, #tpu.memory_space<hbm>>
      tpu.wait_indirect_dma semaphore(%arg17 : memref<!tpu.dma_semaphore, #tpu.memory_space<semaphore_mem>>) src(%dma_wait3A_57 : memref<10000x128xf32, #tpu.memory_space<hbm>>) dst(%arg14 : memref<80x128xf32, #tpu.memory_space<vmem>>)
      %dma_wait3A_58 = arith.constant 0 : i32
      %dma_wait3A_59 = arith.constant 0 : i32
      %dma_wait3A_60 = tpu.memref_slice %arg6[%dma_wait3A_58, %dma_wait3A_59] : memref<10000x128xf32, #tpu.memory_space<hbm>> -> memref<10000x128xf32, #tpu.memory_space<hbm>>
      tpu.wait_indirect_dma semaphore(%arg17 : memref<!tpu.dma_semaphore, #tpu.memory_space<semaphore_mem>>) src(%dma_wait3A_60 : memref<10000x128xf32, #tpu.memory_space<hbm>>) dst(%arg15 : memref<80x128xf32, #tpu.memory_space<vmem>>)
      %dma_wait3A_61 = arith.constant 0 : i32
      %dma_wait3A_62 = arith.constant 0 : i32
      %dma_wait3A_63 = tpu.memref_slice %arg4[%dma_wait3A_61, %dma_wait3A_62] : memref<10000x128xf32, #tpu.memory_space<hbm>> -> memref<10000x128xf32, #tpu.memory_space<hbm>>
      tpu.wait_indirect_dma semaphore(%arg17 : memref<!tpu.dma_semaphore, #tpu.memory_space<semaphore_mem>>) src(%dma_wait3A_63 : memref<10000x128xf32, #tpu.memory_space<hbm>>) dst(%arg13 : memref<80x128xf32, #tpu.memory_space<vmem>>)
      %scan3A_64 = arith.constant 0 : i32
      %scan3A_65 = arith.constant 0 : i32
      %scan3A_66 = arith.constant 80 : i32
      %scan3A_67 = arith.addi %scan3A_65, %scan3A_66 : i32
      %scan3A_68 = arith.constant 1 : i32
      scf.for %scan3A_70 = %scan3A_65 to %scan3A_67 step %scan3A_68  : i32 {
        %get3A = arith.index_cast %scan3A_70 : i32 to index
        %get3A_71 = arith.constant 0 : index
        %get3A_72 = tpu.vector_load %arg14[%get3A, %get3A_71] {strides = array<i32>} : memref<80x128xf32, #tpu.memory_space<vmem>>, vector<1x16xf32>,
        %get3A_73 = vector.shape_cast %get3A_72 : vector<1x16xf32> to vector<16xf32>
        %get3A_74 = arith.index_cast %scan3A_70 : i32 to index
        %get3A_75 = arith.constant 0 : index
        %get3A_76 = tpu.vector_load %arg15[%get3A_74, %get3A_75] {strides = array<i32>} : memref<80x128xf32, #tpu.memory_space<vmem>>, vector<1x16xf32>,
        %get3A_77 = vector.shape_cast %get3A_76 : vector<1x16xf32> to vector<16xf32>
        %add3A_78 = arith.addf %get3A_73, %get3A_77 : vector<16xf32>
        %ge3A = arith.constant 0.000000e+00 : f32
        %ge3A_79 = vector.broadcast %ge3A : f32 to vector<16xf32>
        %ge3A_80 = arith.cmpf oge, %add3A_78, %ge3A_79 : vector<16xf32>
        %mul3A_81 = arith.constant 2.000000e-01 : f32
        %mul3A_82 = vector.broadcast %mul3A_81 : f32 to vector<16xf32>
        %mul3A_83 = arith.mulf %mul3A_82, %add3A_78 : vector<16xf32>
        %select_n3A = arith.select %ge3A_80, %add3A_78, %mul3A_83 : vector<16xi1>, vector<16xf32>
        %exp3A = math.exp %select_n3A : vector<16xf32>
        %get3A_84 = arith.index_cast %scan3A_70 : i32 to index
        %get3A_85 = arith.constant 0 : index
        %get3A_86 = tpu.vector_load %arg13[%get3A_84, %get3A_85] {strides = array<i32>} : memref<80x128xf32, #tpu.memory_space<vmem>>, vector<1x16xf32>,
        %get3A_87 = vector.shape_cast %get3A_86 : vector<1x16xf32> to vector<16xf32>
        %slice3A = vector.extract_strided_slice %exp3A {offsets = [0], sizes = [1], strides = [1]} : vector<16xf32> to vector<1xf32>
        %squeeze3A = vector.extract %slice3A[0] : f32 from vector<1xf32>
        %mul3A_88 = vector.broadcast %squeeze3A : f32 to vector<16xf32>
        %mul3A_89 = arith.mulf %get3A_87, %mul3A_88 : vector<16xf32>
        %swap3A = arith.index_cast %scan3A_70 : i32 to index
        %swap3A_90 = arith.constant 0 : index
        %swap3A_91 = tpu.vector_load %arg13[%swap3A, %swap3A_90] {strides = array<i32>} : memref<80x128xf32, #tpu.memory_space<vmem>>, vector<1x16xf32>,
        %swap3A_92 = vector.shape_cast %swap3A_91 : vector<1x16xf32> to vector<16xf32>
        %swap3A_93 = vector.shape_cast %mul3A_89 : vector<16xf32> to vector<1x16xf32>
        tpu.vector_store %arg13[%swap3A, %swap3A_90], %swap3A_93 {strides = array<i32>} : memref<80x128xf32, #tpu.memory_space<vmem>>, vector<1x16xf32>,
        %get3A_94 = arith.index_cast %scan3A_70 : i32 to index
        %get3A_95 = arith.constant 16 : index
        %get3A_96 = tpu.vector_load %arg13[%get3A_94, %get3A_95] {strides = array<i32>} : memref<80x128xf32, #tpu.memory_space<vmem>>, vector<1x16xf32>,
        %get3A_97 = vector.shape_cast %get3A_96 : vector<1x16xf32> to vector<16xf32>
        %slice3A_98 = vector.extract_strided_slice %exp3A {offsets = [1], sizes = [1], strides = [1]} : vector<16xf32> to vector<1xf32>
        %squeeze3A_99 = vector.extract %slice3A_98[0] : f32 from vector<1xf32>
        %mul3A_100 = vector.broadcast %squeeze3A_99 : f32 to vector<16xf32>
        %mul3A_101 = arith.mulf %get3A_97, %mul3A_100 : vector<16xf32>
        %swap3A_102 = arith.index_cast %scan3A_70 : i32 to index
        %swap3A_103 = arith.constant 16 : index
        %swap3A_104 = tpu.vector_load %arg13[%swap3A_102, %swap3A_103] {strides = array<i32>} : memref<80x128xf32, #tpu.memory_space<vmem>>, vector<1x16xf32>,
        %swap3A_105 = vector.shape_cast %swap3A_104 : vector<1x16xf32> to vector<16xf32>
        %swap3A_106 = vector.shape_cast %mul3A_101 : vector<16xf32> to vector<1x16xf32>
        tpu.vector_store %arg13[%swap3A_102, %swap3A_103], %swap3A_106 {strides = array<i32>} : memref<80x128xf32, #tpu.memory_space<vmem>>, vector<1x16xf32>,
        %get3A_107 = arith.index_cast %scan3A_70 : i32 to index
        %get3A_108 = arith.constant 32 : index
        %get3A_109 = tpu.vector_load %arg13[%get3A_107, %get3A_108] {strides = array<i32>} : memref<80x128xf32, #tpu.memory_space<vmem>>, vector<1x16xf32>,
        %get3A_110 = vector.shape_cast %get3A_109 : vector<1x16xf32> to vector<16xf32>
        %slice3A_111 = vector.extract_strided_slice %exp3A {offsets = [2], sizes = [1], strides = [1]} : vector<16xf32> to vector<1xf32>
        %squeeze3A_112 = vector.extract %slice3A_111[0] : f32 from vector<1xf32>
        %mul3A_113 = vector.broadcast %squeeze3A_112 : f32 to vector<16xf32>
        %mul3A_114 = arith.mulf %get3A_110, %mul3A_113 : vector<16xf32>
        %swap3A_115 = arith.index_cast %scan3A_70 : i32 to index
        %swap3A_116 = arith.constant 32 : index
        %swap3A_117 = tpu.vector_load %arg13[%swap3A_115, %swap3A_116] {strides = array<i32>} : memref<80x128xf32, #tpu.memory_space<vmem>>, vector<1x16xf32>,
        %swap3A_118 = vector.shape_cast %swap3A_117 : vector<1x16xf32> to vector<16xf32>
        %swap3A_119 = vector.shape_cast %mul3A_114 : vector<16xf32> to vector<1x16xf32>
        tpu.vector_store %arg13[%swap3A_115, %swap3A_116], %swap3A_119 {strides = array<i32>} : memref<80x128xf32, #tpu.memory_space<vmem>>, vector<1x16xf32>,
        %get3A_120 = arith.index_cast %scan3A_70 : i32 to index
        %get3A_121 = arith.constant 48 : index
        %get3A_122 = tpu.vector_load %arg13[%get3A_120, %get3A_121] {strides = array<i32>} : memref<80x128xf32, #tpu.memory_space<vmem>>, vector<1x16xf32>,
        %get3A_123 = vector.shape_cast %get3A_122 : vector<1x16xf32> to vector<16xf32>
        %slice3A_124 = vector.extract_strided_slice %exp3A {offsets = [3], sizes = [1], strides = [1]} : vector<16xf32> to vector<1xf32>
        %squeeze3A_125 = vector.extract %slice3A_124[0] : f32 from vector<1xf32>
        %mul3A_126 = vector.broadcast %squeeze3A_125 : f32 to vector<16xf32>
        %mul3A_127 = arith.mulf %get3A_123, %mul3A_126 : vector<16xf32>
        %swap3A_128 = arith.index_cast %scan3A_70 : i32 to index
        %swap3A_129 = arith.constant 48 : index
        %swap3A_130 = tpu.vector_load %arg13[%swap3A_128, %swap3A_129] {strides = array<i32>} : memref<80x128xf32, #tpu.memory_space<vmem>>, vector<1x16xf32>,
        %swap3A_131 = vector.shape_cast %swap3A_130 : vector<1x16xf32> to vector<16xf32>
        %swap3A_132 = vector.shape_cast %mul3A_127 : vector<16xf32> to vector<1x16xf32>
        tpu.vector_store %arg13[%swap3A_128, %swap3A_129], %swap3A_132 {strides = array<i32>} : memref<80x128xf32, #tpu.memory_space<vmem>>, vector<1x16xf32>,
        %get3A_133 = arith.index_cast %scan3A_70 : i32 to index
        %get3A_134 = arith.constant 64 : index
        %get3A_135 = tpu.vector_load %arg13[%get3A_133, %get3A_134] {strides = array<i32>} : memref<80x128xf32, #tpu.memory_space<vmem>>, vector<1x16xf32>,
        %get3A_136 = vector.shape_cast %get3A_135 : vector<1x16xf32> to vector<16xf32>
        %slice3A_137 = vector.extract_strided_slice %exp3A {offsets = [4], sizes = [1], strides = [1]} : vector<16xf32> to vector<1xf32>
        %squeeze3A_138 = vector.extract %slice3A_137[0] : f32 from vector<1xf32>
        %mul3A_139 = vector.broadcast %squeeze3A_138 : f32 to vector<16xf32>
        %mul3A_140 = arith.mulf %get3A_136, %mul3A_139 : vector<16xf32>
        %swap3A_141 = arith.index_cast %scan3A_70 : i32 to index
        %swap3A_142 = arith.constant 64 : index
        %swap3A_143 = tpu.vector_load %arg13[%swap3A_141, %swap3A_142] {strides = array<i32>} : memref<80x128xf32, #tpu.memory_space<vmem>>, vector<1x16xf32>,
        %swap3A_144 = vector.shape_cast %swap3A_143 : vector<1x16xf32> to vector<16xf32>
        %swap3A_145 = vector.shape_cast %mul3A_140 : vector<16xf32> to vector<1x16xf32>
        tpu.vector_store %arg13[%swap3A_141, %swap3A_142], %swap3A_145 {strides = array<i32>} : memref<80x128xf32, #tpu.memory_space<vmem>>, vector<1x16xf32>,
        %get3A_146 = arith.index_cast %scan3A_70 : i32 to index
        %get3A_147 = arith.constant 80 : index
        %get3A_148 = tpu.vector_load %arg13[%get3A_146, %get3A_147] {strides = array<i32>} : memref<80x128xf32, #tpu.memory_space<vmem>>, vector<1x16xf32>,
        %get3A_149 = vector.shape_cast %get3A_148 : vector<1x16xf32> to vector<16xf32>
        %slice3A_150 = vector.extract_strided_slice %exp3A {offsets = [5], sizes = [1], strides = [1]} : vector<16xf32> to vector<1xf32>
        %squeeze3A_151 = vector.extract %slice3A_150[0] : f32 from vector<1xf32>
        %mul3A_152 = vector.broadcast %squeeze3A_151 : f32 to vector<16xf32>
        %mul3A_153 = arith.mulf %get3A_149, %mul3A_152 : vector<16xf32>
        %swap3A_154 = arith.index_cast %scan3A_70 : i32 to index
        %swap3A_155 = arith.constant 80 : index
        %swap3A_156 = tpu.vector_load %arg13[%swap3A_154, %swap3A_155] {strides = array<i32>} : memref<80x128xf32, #tpu.memory_space<vmem>>, vector<1x16xf32>,
        %swap3A_157 = vector.shape_cast %swap3A_156 : vector<1x16xf32> to vector<16xf32>
        %swap3A_158 = vector.shape_cast %mul3A_153 : vector<16xf32> to vector<1x16xf32>
        tpu.vector_store %arg13[%swap3A_154, %swap3A_155], %swap3A_158 {strides = array<i32>} : memref<80x128xf32, #tpu.memory_space<vmem>>, vector<1x16xf32>,
        %get3A_159 = arith.index_cast %scan3A_70 : i32 to index
        %get3A_160 = arith.constant 96 : index
        %get3A_161 = tpu.vector_load %arg13[%get3A_159, %get3A_160] {strides = array<i32>} : memref<80x128xf32, #tpu.memory_space<vmem>>, vector<1x16xf32>,
        %get3A_162 = vector.shape_cast %get3A_161 : vector<1x16xf32> to vector<16xf32>
        %slice3A_163 = vector.extract_strided_slice %exp3A {offsets = [6], sizes = [1], strides = [1]} : vector<16xf32> to vector<1xf32>
        %squeeze3A_164 = vector.extract %slice3A_163[0] : f32 from vector<1xf32>
        %mul3A_165 = vector.broadcast %squeeze3A_164 : f32 to vector<16xf32>
        %mul3A_166 = arith.mulf %get3A_162, %mul3A_165 : vector<16xf32>
        %swap3A_167 = arith.index_cast %scan3A_70 : i32 to index
        %swap3A_168 = arith.constant 96 : index
        %swap3A_169 = tpu.vector_load %arg13[%swap3A_167, %swap3A_168] {strides = array<i32>} : memref<80x128xf32, #tpu.memory_space<vmem>>, vector<1x16xf32>,
        %swap3A_170 = vector.shape_cast %swap3A_169 : vector<1x16xf32> to vector<16xf32>
        %swap3A_171 = vector.shape_cast %mul3A_166 : vector<16xf32> to vector<1x16xf32>
        tpu.vector_store %arg13[%swap3A_167, %swap3A_168], %swap3A_171 {strides = array<i32>} : memref<80x128xf32, #tpu.memory_space<vmem>>, vector<1x16xf32>,
        %get3A_172 = arith.index_cast %scan3A_70 : i32 to index
        %get3A_173 = arith.constant 112 : index
        %get3A_174 = tpu.vector_load %arg13[%get3A_172, %get3A_173] {strides = array<i32>} : memref<80x128xf32, #tpu.memory_space<vmem>>, vector<1x16xf32>,
        %get3A_175 = vector.shape_cast %get3A_174 : vector<1x16xf32> to vector<16xf32>
        %slice3A_176 = vector.extract_strided_slice %exp3A {offsets = [7], sizes = [1], strides = [1]} : vector<16xf32> to vector<1xf32>
        %squeeze3A_177 = vector.extract %slice3A_176[0] : f32 from vector<1xf32>
        %mul3A_178 = vector.broadcast %squeeze3A_177 : f32 to vector<16xf32>
        %mul3A_179 = arith.mulf %get3A_175, %mul3A_178 : vector<16xf32>
        %swap3A_180 = arith.index_cast %scan3A_70 : i32 to index
        %swap3A_181 = arith.constant 112 : index
        %swap3A_182 = tpu.vector_load %arg13[%swap3A_180, %swap3A_181] {strides = array<i32>} : memref<80x128xf32, #tpu.memory_space<vmem>>, vector<1x16xf32>,
        %swap3A_183 = vector.shape_cast %swap3A_182 : vector<1x16xf32> to vector<16xf32>
        %swap3A_184 = vector.shape_cast %mul3A_179 : vector<16xf32> to vector<1x16xf32>
        tpu.vector_store %arg13[%swap3A_180, %swap3A_181], %swap3A_184 {strides = array<i32>} : memref<80x128xf32, #tpu.memory_space<vmem>>, vector<1x16xf32>,
      }
      %scan3A_69 = arith.constant 80 : i32
      "tpu.region"() ({
        %run_scoped3A = tpu.sem_alloc : memref<!tpu.dma_semaphore, #tpu.memory_space<semaphore_mem>>
        %dma_start3A_70 = arith.constant 0 : i32
        %dma_start3A_71 = arith.constant 0 : i32
        %dma_start3A_72 = tpu.memref_slice %arg10[%dma_start3A_70, %dma_start3A_71] : memref<10240x128xf32, #tpu.memory_space<vmem_shared>> -> memref<10240x128xf32, #tpu.memory_space<vmem_shared>>
        tpu.enqueue_indirect_dma source(%arg13 : memref<80x128xf32, #tpu.memory_space<vmem>>) target(%dma_start3A_72 : memref<10240x128xf32, #tpu.memory_space<vmem_shared>>) offsets(%arg12 : memref<80xi32, #tpu.memory_space<vmem>>) semaphore(%run_scoped3A : memref<!tpu.dma_semaphore, #tpu.memory_space<semaphore_mem>>) {add = true}
        %dma_wait3A_73 = arith.constant 0 : i32
        %dma_wait3A_74 = arith.constant 0 : i32
        %dma_wait3A_75 = tpu.memref_slice %arg10[%dma_wait3A_73, %dma_wait3A_74] : memref<10240x128xf32, #tpu.memory_space<vmem_shared>> -> memref<10240x128xf32, #tpu.memory_space<vmem_shared>>
        tpu.wait_indirect_dma semaphore(%run_scoped3A : memref<!tpu.dma_semaphore, #tpu.memory_space<semaphore_mem>>) src(%arg13 : memref<80x128xf32, #tpu.memory_space<vmem>>) dst(%dma_wait3A_75 : memref<10240x128xf32, #tpu.memory_space<vmem_shared>>)
        tpu.yield
      }) : () -> ()
    }
    %scan3A_13 = arith.constant 125 : i32
    %barrier3A_14 = arith.constant 0 : index
    tpu.barrier barrier_id(%barrier3A_14)
    %scan3A_15 = arith.constant 0 : i32
    %scan3A_16 = arith.constant 0 : i32
    %scan3A_17 = arith.constant 8 : i32
    %scan3A_18 = arith.addi %scan3A_16, %scan3A_17 : i32
    %scan3A_19 = arith.constant 1 : i32
    scf.for %scan3A_42 = %scan3A_16 to %scan3A_18 step %scan3A_19  : i32 {
      %mul3A_43 = arith.constant 80 : i32
      %mul3A_44 = arith.muli %scan3A_42, %mul3A_43 : i32
      %add3A_45 = arith.addi %mul3A_2, %mul3A_44 : i32
      "tpu.region"() ({
        %run_scoped3A = tpu.sem_alloc : memref<!tpu.dma_semaphore, #tpu.memory_space<semaphore_mem>>
        %dma_start3A = arith.constant 0 : i32
        %dma_start3A_52 = tpu.memref_slice %arg10[%add3A_45, %dma_start3A] : memref<10240x128xf32, #tpu.memory_space<vmem_shared>> -> memref<80x128xf32, #tpu.memory_space<vmem_shared>>
        %dma_start3A_53 = arith.constant 0 : i32
        %dma_start3A_54 = tpu.memref_slice %arg10[%add3A_45, %dma_start3A_53] : memref<10240x128xf32, #tpu.memory_space<vmem_shared>> -> memref<80x128xf32, #tpu.memory_space<vmem_shared>>
        tpu.enqueue_dma source(%dma_start3A_54 : memref<80x128xf32, #tpu.memory_space<vmem_shared>>) target(%arg13 : memref<80x128xf32, #tpu.memory_space<vmem>>) target_semaphore(%run_scoped3A : memref<!tpu.dma_semaphore, #tpu.memory_space<semaphore_mem>>)
        %dma_wait3A = arith.constant 0 : i32
        %dma_wait3A_55 = tpu.memref_slice %arg10[%add3A_45, %dma_wait3A] : memref<10240x128xf32, #tpu.memory_space<vmem_shared>> -> memref<80x128xf32, #tpu.memory_space<vmem_shared>>
        %dma_wait3A_56 = arith.constant 0 : i32
        %dma_wait3A_57 = tpu.memref_slice %arg10[%add3A_45, %dma_wait3A_56] : memref<10240x128xf32, #tpu.memory_space<vmem_shared>> -> memref<80x128xf32, #tpu.memory_space<vmem_shared>>
        tpu.wait_dma2 semaphore(%run_scoped3A : memref<!tpu.dma_semaphore, #tpu.memory_space<semaphore_mem>>) src(%dma_wait3A_57 : memref<80x128xf32, #tpu.memory_space<vmem_shared>>) dst(%arg13 : memref<80x128xf32, #tpu.memory_space<vmem>>)
        tpu.yield
      }) : () -> ()
      %mul3A_46 = arith.constant 10240 : i32
      %mul3A_47 = arith.muli %arg0, %mul3A_46 : i32
      %add3A_48 = arith.addi %mul3A_47, %mul3A_2 : i32
      %mul3A_49 = arith.constant 80 : i32
      %mul3A_50 = arith.muli %scan3A_42, %mul3A_49 : i32
      %add3A_51 = arith.addi %add3A_48, %mul3A_50 : i32
      "tpu.region"() ({
        %run_scoped3A = tpu.sem_alloc : memref<!tpu.dma_semaphore, #tpu.memory_space<semaphore_mem>>
        %dma_start3A = arith.constant 0 : i32
        %dma_start3A_52 = tpu.memref_slice %arg8[%add3A_51, %dma_start3A] : memref<20480x128xf32, #tpu.memory_space<hbm>> -> memref<80x128xf32, #tpu.memory_space<hbm>>
        %dma_start3A_53 = arith.constant 0 : i32
        %dma_start3A_54 = tpu.memref_slice %arg8[%add3A_51, %dma_start3A_53] : memref<20480x128xf32, #tpu.memory_space<hbm>> -> memref<80x128xf32, #tpu.memory_space<hbm>>
        tpu.enqueue_dma source(%arg13 : memref<80x128xf32, #tpu.memory_space<vmem>>) target(%dma_start3A_54 : memref<80x128xf32, #tpu.memory_space<hbm>>) target_semaphore(%run_scoped3A : memref<!tpu.dma_semaphore, #tpu.memory_space<semaphore_mem>>)
        %dma_wait3A = arith.constant 0 : i32
        %dma_wait3A_55 = tpu.memref_slice %arg8[%add3A_51, %dma_wait3A] : memref<20480x128xf32, #tpu.memory_space<hbm>> -> memref<80x128xf32, #tpu.memory_space<hbm>>
        %dma_wait3A_56 = arith.constant 0 : i32
        %dma_wait3A_57 = tpu.memref_slice %arg8[%add3A_51, %dma_wait3A_56] : memref<20480x128xf32, #tpu.memory_space<hbm>> -> memref<80x128xf32, #tpu.memory_space<hbm>>
        tpu.wait_dma2 semaphore(%run_scoped3A : memref<!tpu.dma_semaphore, #tpu.memory_space<semaphore_mem>>) src(%arg13 : memref<80x128xf32, #tpu.memory_space<vmem>>) dst(%dma_wait3A_57 : memref<80x128xf32, #tpu.memory_space<hbm>>)
        tpu.yield
      }) : () -> ()
    }
    %scan3A_20 = arith.constant 8 : i32
    %barrier3A_21 = arith.constant 0 : index
    tpu.barrier barrier_id(%barrier3A_21)
    %scan3A_22 = arith.constant 0 : i32
    %scan3A_23 = arith.constant 0 : i32
    %scan3A_24 = arith.constant 8 : i32
    %scan3A_25 = arith.addi %scan3A_23, %scan3A_24 : i32
    %scan3A_26 = arith.constant 1 : i32
    scf.for %scan3A_42 = %scan3A_23 to %scan3A_25 step %scan3A_26  : i32 {
      %mul3A_43 = arith.constant 80 : i32
      %mul3A_44 = arith.muli %scan3A_42, %mul3A_43 : i32
      %add3A_45 = arith.addi %mul3A_2, %mul3A_44 : i32
      "tpu.region"() ({
        %run_scoped3A = tpu.sem_alloc : memref<!tpu.dma_semaphore, #tpu.memory_space<semaphore_mem>>
        %dma_start3A = arith.constant 0 : i32
        %dma_start3A_46 = tpu.memref_slice %arg10[%add3A_45, %dma_start3A] : memref<10240x128xf32, #tpu.memory_space<vmem_shared>> -> memref<80x128xf32, #tpu.memory_space<vmem_shared>>
        %dma_start3A_47 = arith.constant 0 : i32
        %dma_start3A_48 = tpu.memref_slice %arg10[%add3A_45, %dma_start3A_47] : memref<10240x128xf32, #tpu.memory_space<vmem_shared>> -> memref<80x128xf32, #tpu.memory_space<vmem_shared>>
        tpu.enqueue_dma source(%arg16 : memref<80x128xf32, #tpu.memory_space<vmem>>) target(%dma_start3A_48 : memref<80x128xf32, #tpu.memory_space<vmem_shared>>) target_semaphore(%run_scoped3A : memref<!tpu.dma_semaphore, #tpu.memory_space<semaphore_mem>>)
        %dma_wait3A = arith.constant 0 : i32
        %dma_wait3A_49 = tpu.memref_slice %arg10[%add3A_45, %dma_wait3A] : memref<10240x128xf32, #tpu.memory_space<vmem_shared>> -> memref<80x128xf32, #tpu.memory_space<vmem_shared>>
        %dma_wait3A_50 = arith.constant 0 : i32
        %dma_wait3A_51 = tpu.memref_slice %arg10[%add3A_45, %dma_wait3A_50] : memref<10240x128xf32, #tpu.memory_space<vmem_shared>> -> memref<80x128xf32, #tpu.memory_space<vmem_shared>>
        tpu.wait_dma2 semaphore(%run_scoped3A : memref<!tpu.dma_semaphore, #tpu.memory_space<semaphore_mem>>) src(%arg16 : memref<80x128xf32, #tpu.memory_space<vmem>>) dst(%dma_wait3A_51 : memref<80x128xf32, #tpu.memory_space<vmem_shared>>)
        tpu.yield
      }) : () -> ()
    }
    %scan3A_27 = arith.constant 8 : i32
    %barrier3A_28 = arith.constant 0 : index
    tpu.barrier barrier_id(%barrier3A_28)
    %scan3A_29 = arith.constant 0 : i32
    %scan3A_30 = arith.constant 0 : i32
    %scan3A_31 = arith.constant 125 : i32
    %scan3A_32 = arith.addi %scan3A_30, %scan3A_31 : i32
    %scan3A_33 = arith.constant 1 : i32
    scf.for %scan3A_42 = %scan3A_30 to %scan3A_32 step %scan3A_33  : i32 {
      %mul3A_43 = arith.constant 10000 : i32
      %mul3A_44 = arith.muli %add3A, %mul3A_43 : i32
      %mul3A_45 = arith.constant 80 : i32
      %mul3A_46 = arith.muli %scan3A_42, %mul3A_45 : i32
      %add3A_47 = arith.addi %mul3A_44, %mul3A_46 : i32
      "tpu.region"() ({
        %run_scoped3A = tpu.sem_alloc : memref<!tpu.dma_semaphore, #tpu.memory_space<semaphore_mem>>
        %dma_start3A_64 = tpu.memref_slice %arg2[%add3A_47] : memref<320000xi32, #tpu.memory_space<hbm>> -> memref<80xi32, #tpu.memory_space<hbm>>
        %dma_start3A_65 = tpu.memref_slice %arg2[%add3A_47] : memref<320000xi32, #tpu.memory_space<hbm>> -> memref<80xi32, #tpu.memory_space<hbm>>
        tpu.enqueue_dma source(%dma_start3A_65 : memref<80xi32, #tpu.memory_space<hbm>>) target(%arg11 : memref<80xi32, #tpu.memory_space<vmem>>) target_semaphore(%run_scoped3A : memref<!tpu.dma_semaphore, #tpu.memory_space<semaphore_mem>>)
        %dma_wait3A_66 = tpu.memref_slice %arg2[%add3A_47] : memref<320000xi32, #tpu.memory_space<hbm>> -> memref<80xi32, #tpu.memory_space<hbm>>
        %dma_wait3A_67 = tpu.memref_slice %arg2[%add3A_47] : memref<320000xi32, #tpu.memory_space<hbm>> -> memref<80xi32, #tpu.memory_space<hbm>>
        tpu.wait_dma2 semaphore(%run_scoped3A : memref<!tpu.dma_semaphore, #tpu.memory_space<semaphore_mem>>) src(%dma_wait3A_67 : memref<80xi32, #tpu.memory_space<hbm>>) dst(%arg11 : memref<80xi32, #tpu.memory_space<vmem>>)
        tpu.yield
      }) : () -> ()
      "tpu.region"() ({
        %run_scoped3A = tpu.sem_alloc : memref<!tpu.dma_semaphore, #tpu.memory_space<semaphore_mem>>
        %dma_start3A_64 = tpu.memref_slice %arg3[%add3A_47] : memref<320000xi32, #tpu.memory_space<hbm>> -> memref<80xi32, #tpu.memory_space<hbm>>
        %dma_start3A_65 = tpu.memref_slice %arg3[%add3A_47] : memref<320000xi32, #tpu.memory_space<hbm>> -> memref<80xi32, #tpu.memory_space<hbm>>
        tpu.enqueue_dma source(%dma_start3A_65 : memref<80xi32, #tpu.memory_space<hbm>>) target(%arg12 : memref<80xi32, #tpu.memory_space<vmem>>) target_semaphore(%run_scoped3A : memref<!tpu.dma_semaphore, #tpu.memory_space<semaphore_mem>>)
        %dma_wait3A_66 = tpu.memref_slice %arg3[%add3A_47] : memref<320000xi32, #tpu.memory_space<hbm>> -> memref<80xi32, #tpu.memory_space<hbm>>
        %dma_wait3A_67 = tpu.memref_slice %arg3[%add3A_47] : memref<320000xi32, #tpu.memory_space<hbm>> -> memref<80xi32, #tpu.memory_space<hbm>>
        tpu.wait_dma2 semaphore(%run_scoped3A : memref<!tpu.dma_semaphore, #tpu.memory_space<semaphore_mem>>) src(%dma_wait3A_67 : memref<80xi32, #tpu.memory_space<hbm>>) dst(%arg12 : memref<80xi32, #tpu.memory_space<vmem>>)
        tpu.yield
      }) : () -> ()
      %dma_start3A = arith.constant 0 : i32
      %dma_start3A_48 = arith.constant 0 : i32
      %dma_start3A_49 = tpu.memref_slice %arg5[%dma_start3A, %dma_start3A_48] : memref<10000x128xf32, #tpu.memory_space<hbm>> -> memref<10000x128xf32, #tpu.memory_space<hbm>>
      tpu.enqueue_indirect_dma source(%dma_start3A_49 : memref<10000x128xf32, #tpu.memory_space<hbm>>) target(%arg14 : memref<80x128xf32, #tpu.memory_space<vmem>>) offsets(%arg11 : memref<80xi32, #tpu.memory_space<vmem>>) semaphore(%arg17 : memref<!tpu.dma_semaphore, #tpu.memory_space<semaphore_mem>>)
      %dma_start3A_50 = arith.constant 0 : i32
      %dma_start3A_51 = arith.constant 0 : i32
      %dma_start3A_52 = tpu.memref_slice %arg6[%dma_start3A_50, %dma_start3A_51] : memref<10000x128xf32, #tpu.memory_space<hbm>> -> memref<10000x128xf32, #tpu.memory_space<hbm>>
      tpu.enqueue_indirect_dma source(%dma_start3A_52 : memref<10000x128xf32, #tpu.memory_space<hbm>>) target(%arg15 : memref<80x128xf32, #tpu.memory_space<vmem>>) offsets(%arg12 : memref<80xi32, #tpu.memory_space<vmem>>) semaphore(%arg17 : memref<!tpu.dma_semaphore, #tpu.memory_space<semaphore_mem>>)
      %dma_wait3A = arith.constant 0 : i32
      %dma_wait3A_53 = arith.constant 0 : i32
      %dma_wait3A_54 = tpu.memref_slice %arg5[%dma_wait3A, %dma_wait3A_53] : memref<10000x128xf32, #tpu.memory_space<hbm>> -> memref<10000x128xf32, #tpu.memory_space<hbm>>
      tpu.wait_indirect_dma semaphore(%arg17 : memref<!tpu.dma_semaphore, #tpu.memory_space<semaphore_mem>>) src(%dma_wait3A_54 : memref<10000x128xf32, #tpu.memory_space<hbm>>) dst(%arg14 : memref<80x128xf32, #tpu.memory_space<vmem>>)
      %dma_wait3A_55 = arith.constant 0 : i32
      %dma_wait3A_56 = arith.constant 0 : i32
      %dma_wait3A_57 = tpu.memref_slice %arg6[%dma_wait3A_55, %dma_wait3A_56] : memref<10000x128xf32, #tpu.memory_space<hbm>> -> memref<10000x128xf32, #tpu.memory_space<hbm>>
      tpu.wait_indirect_dma semaphore(%arg17 : memref<!tpu.dma_semaphore, #tpu.memory_space<semaphore_mem>>) src(%dma_wait3A_57 : memref<10000x128xf32, #tpu.memory_space<hbm>>) dst(%arg15 : memref<80x128xf32, #tpu.memory_space<vmem>>)
      %scan3A_58 = arith.constant 0 : i32
      %scan3A_59 = arith.constant 0 : i32
      %scan3A_60 = arith.constant 80 : i32
      %scan3A_61 = arith.addi %scan3A_59, %scan3A_60 : i32
      %scan3A_62 = arith.constant 1 : i32
      scf.for %scan3A_64 = %scan3A_59 to %scan3A_61 step %scan3A_62  : i32 {
        %get3A = arith.index_cast %scan3A_64 : i32 to index
        %get3A_65 = arith.constant 0 : index
        %get3A_66 = tpu.vector_load %arg14[%get3A, %get3A_65] {strides = array<i32>} : memref<80x128xf32, #tpu.memory_space<vmem>>, vector<1x16xf32>,
        %get3A_67 = vector.shape_cast %get3A_66 : vector<1x16xf32> to vector<16xf32>
        %get3A_68 = arith.index_cast %scan3A_64 : i32 to index
        %get3A_69 = arith.constant 0 : index
        %get3A_70 = tpu.vector_load %arg15[%get3A_68, %get3A_69] {strides = array<i32>} : memref<80x128xf32, #tpu.memory_space<vmem>>, vector<1x16xf32>,
        %get3A_71 = vector.shape_cast %get3A_70 : vector<1x16xf32> to vector<16xf32>
        %add3A_72 = arith.addf %get3A_67, %get3A_71 : vector<16xf32>
        %ge3A = arith.constant 0.000000e+00 : f32
        %ge3A_73 = vector.broadcast %ge3A : f32 to vector<16xf32>
        %ge3A_74 = arith.cmpf oge, %add3A_72, %ge3A_73 : vector<16xf32>
        %mul3A_75 = arith.constant 2.000000e-01 : f32
        %mul3A_76 = vector.broadcast %mul3A_75 : f32 to vector<16xf32>
        %mul3A_77 = arith.mulf %mul3A_76, %add3A_72 : vector<16xf32>
        %select_n3A = arith.select %ge3A_74, %add3A_72, %mul3A_77 : vector<16xi1>, vector<16xf32>
        %exp3A = math.exp %select_n3A : vector<16xf32>
        %slice3A = vector.extract_strided_slice %exp3A {offsets = [0], sizes = [1], strides = [1]} : vector<16xf32> to vector<1xf32>
        %squeeze3A = vector.extract %slice3A[0] : f32 from vector<1xf32>
        %broadcast_in_dim3A = vector.broadcast %squeeze3A : f32 to vector<16xf32>
        %swap3A = arith.index_cast %scan3A_64 : i32 to index
        %swap3A_78 = arith.constant 0 : index
        %swap3A_79 = tpu.vector_load %arg16[%swap3A, %swap3A_78] {strides = array<i32>} : memref<80x128xf32, #tpu.memory_space<vmem>>, vector<1x16xf32>,
        %swap3A_80 = vector.shape_cast %swap3A_79 : vector<1x16xf32> to vector<16xf32>
        %swap3A_81 = vector.shape_cast %broadcast_in_dim3A : vector<16xf32> to vector<1x16xf32>
        tpu.vector_store %arg16[%swap3A, %swap3A_78], %swap3A_81 {strides = array<i32>} : memref<80x128xf32, #tpu.memory_space<vmem>>, vector<1x16xf32>,
        %slice3A_82 = vector.extract_strided_slice %exp3A {offsets = [1], sizes = [1], strides = [1]} : vector<16xf32> to vector<1xf32>
        %squeeze3A_83 = vector.extract %slice3A_82[0] : f32 from vector<1xf32>
        %broadcast_in_dim3A_84 = vector.broadcast %squeeze3A_83 : f32 to vector<16xf32>
        %swap3A_85 = arith.index_cast %scan3A_64 : i32 to index
        %swap3A_86 = arith.constant 16 : index
        %swap3A_87 = tpu.vector_load %arg16[%swap3A_85, %swap3A_86] {strides = array<i32>} : memref<80x128xf32, #tpu.memory_space<vmem>>, vector<1x16xf32>,
        %swap3A_88 = vector.shape_cast %swap3A_87 : vector<1x16xf32> to vector<16xf32>
        %swap3A_89 = vector.shape_cast %broadcast_in_dim3A_84 : vector<16xf32> to vector<1x16xf32>
        tpu.vector_store %arg16[%swap3A_85, %swap3A_86], %swap3A_89 {strides = array<i32>} : memref<80x128xf32, #tpu.memory_space<vmem>>, vector<1x16xf32>,
        %slice3A_90 = vector.extract_strided_slice %exp3A {offsets = [2], sizes = [1], strides = [1]} : vector<16xf32> to vector<1xf32>
        %squeeze3A_91 = vector.extract %slice3A_90[0] : f32 from vector<1xf32>
        %broadcast_in_dim3A_92 = vector.broadcast %squeeze3A_91 : f32 to vector<16xf32>
        %swap3A_93 = arith.index_cast %scan3A_64 : i32 to index
        %swap3A_94 = arith.constant 32 : index
        %swap3A_95 = tpu.vector_load %arg16[%swap3A_93, %swap3A_94] {strides = array<i32>} : memref<80x128xf32, #tpu.memory_space<vmem>>, vector<1x16xf32>,
        %swap3A_96 = vector.shape_cast %swap3A_95 : vector<1x16xf32> to vector<16xf32>
        %swap3A_97 = vector.shape_cast %broadcast_in_dim3A_92 : vector<16xf32> to vector<1x16xf32>
        tpu.vector_store %arg16[%swap3A_93, %swap3A_94], %swap3A_97 {strides = array<i32>} : memref<80x128xf32, #tpu.memory_space<vmem>>, vector<1x16xf32>,
        %slice3A_98 = vector.extract_strided_slice %exp3A {offsets = [3], sizes = [1], strides = [1]} : vector<16xf32> to vector<1xf32>
        %squeeze3A_99 = vector.extract %slice3A_98[0] : f32 from vector<1xf32>
        %broadcast_in_dim3A_100 = vector.broadcast %squeeze3A_99 : f32 to vector<16xf32>
        %swap3A_101 = arith.index_cast %scan3A_64 : i32 to index
        %swap3A_102 = arith.constant 48 : index
        %swap3A_103 = tpu.vector_load %arg16[%swap3A_101, %swap3A_102] {strides = array<i32>} : memref<80x128xf32, #tpu.memory_space<vmem>>, vector<1x16xf32>,
        %swap3A_104 = vector.shape_cast %swap3A_103 : vector<1x16xf32> to vector<16xf32>
        %swap3A_105 = vector.shape_cast %broadcast_in_dim3A_100 : vector<16xf32> to vector<1x16xf32>
        tpu.vector_store %arg16[%swap3A_101, %swap3A_102], %swap3A_105 {strides = array<i32>} : memref<80x128xf32, #tpu.memory_space<vmem>>, vector<1x16xf32>,
        %slice3A_106 = vector.extract_strided_slice %exp3A {offsets = [4], sizes = [1], strides = [1]} : vector<16xf32> to vector<1xf32>
        %squeeze3A_107 = vector.extract %slice3A_106[0] : f32 from vector<1xf32>
        %broadcast_in_dim3A_108 = vector.broadcast %squeeze3A_107 : f32 to vector<16xf32>
        %swap3A_109 = arith.index_cast %scan3A_64 : i32 to index
        %swap3A_110 = arith.constant 64 : index
        %swap3A_111 = tpu.vector_load %arg16[%swap3A_109, %swap3A_110] {strides = array<i32>} : memref<80x128xf32, #tpu.memory_space<vmem>>, vector<1x16xf32>,
        %swap3A_112 = vector.shape_cast %swap3A_111 : vector<1x16xf32> to vector<16xf32>
        %swap3A_113 = vector.shape_cast %broadcast_in_dim3A_108 : vector<16xf32> to vector<1x16xf32>
        tpu.vector_store %arg16[%swap3A_109, %swap3A_110], %swap3A_113 {strides = array<i32>} : memref<80x128xf32, #tpu.memory_space<vmem>>, vector<1x16xf32>,
        %slice3A_114 = vector.extract_strided_slice %exp3A {offsets = [5], sizes = [1], strides = [1]} : vector<16xf32> to vector<1xf32>
        %squeeze3A_115 = vector.extract %slice3A_114[0] : f32 from vector<1xf32>
        %broadcast_in_dim3A_116 = vector.broadcast %squeeze3A_115 : f32 to vector<16xf32>
        %swap3A_117 = arith.index_cast %scan3A_64 : i32 to index
        %swap3A_118 = arith.constant 80 : index
        %swap3A_119 = tpu.vector_load %arg16[%swap3A_117, %swap3A_118] {strides = array<i32>} : memref<80x128xf32, #tpu.memory_space<vmem>>, vector<1x16xf32>,
        %swap3A_120 = vector.shape_cast %swap3A_119 : vector<1x16xf32> to vector<16xf32>
        %swap3A_121 = vector.shape_cast %broadcast_in_dim3A_116 : vector<16xf32> to vector<1x16xf32>
        tpu.vector_store %arg16[%swap3A_117, %swap3A_118], %swap3A_121 {strides = array<i32>} : memref<80x128xf32, #tpu.memory_space<vmem>>, vector<1x16xf32>,
        %slice3A_122 = vector.extract_strided_slice %exp3A {offsets = [6], sizes = [1], strides = [1]} : vector<16xf32> to vector<1xf32>
        %squeeze3A_123 = vector.extract %slice3A_122[0] : f32 from vector<1xf32>
        %broadcast_in_dim3A_124 = vector.broadcast %squeeze3A_123 : f32 to vector<16xf32>
        %swap3A_125 = arith.index_cast %scan3A_64 : i32 to index
        %swap3A_126 = arith.constant 96 : index
        %swap3A_127 = tpu.vector_load %arg16[%swap3A_125, %swap3A_126] {strides = array<i32>} : memref<80x128xf32, #tpu.memory_space<vmem>>, vector<1x16xf32>,
        %swap3A_128 = vector.shape_cast %swap3A_127 : vector<1x16xf32> to vector<16xf32>
        %swap3A_129 = vector.shape_cast %broadcast_in_dim3A_124 : vector<16xf32> to vector<1x16xf32>
        tpu.vector_store %arg16[%swap3A_125, %swap3A_126], %swap3A_129 {strides = array<i32>} : memref<80x128xf32, #tpu.memory_space<vmem>>, vector<1x16xf32>,
        %slice3A_130 = vector.extract_strided_slice %exp3A {offsets = [7], sizes = [1], strides = [1]} : vector<16xf32> to vector<1xf32>
        %squeeze3A_131 = vector.extract %slice3A_130[0] : f32 from vector<1xf32>
        %broadcast_in_dim3A_132 = vector.broadcast %squeeze3A_131 : f32 to vector<16xf32>
        %swap3A_133 = arith.index_cast %scan3A_64 : i32 to index
        %swap3A_134 = arith.constant 112 : index
        %swap3A_135 = tpu.vector_load %arg16[%swap3A_133, %swap3A_134] {strides = array<i32>} : memref<80x128xf32, #tpu.memory_space<vmem>>, vector<1x16xf32>,
        %swap3A_136 = vector.shape_cast %swap3A_135 : vector<1x16xf32> to vector<16xf32>
        %swap3A_137 = vector.shape_cast %broadcast_in_dim3A_132 : vector<16xf32> to vector<1x16xf32>
        tpu.vector_store %arg16[%swap3A_133, %swap3A_134], %swap3A_137 {strides = array<i32>} : memref<80x128xf32, #tpu.memory_space<vmem>>, vector<1x16xf32>,
      }
      %scan3A_63 = arith.constant 80 : i32
      "tpu.region"() ({
        %run_scoped3A = tpu.sem_alloc : memref<!tpu.dma_semaphore, #tpu.memory_space<semaphore_mem>>
        %dma_start3A_64 = arith.constant 0 : i32
        %dma_start3A_65 = arith.constant 0 : i32
        %dma_start3A_66 = tpu.memref_slice %arg10[%dma_start3A_64, %dma_start3A_65] : memref<10240x128xf32, #tpu.memory_space<vmem_shared>> -> memref<10240x128xf32, #tpu.memory_space<vmem_shared>>
        tpu.enqueue_indirect_dma source(%arg16 : memref<80x128xf32, #tpu.memory_space<vmem>>) target(%dma_start3A_66 : memref<10240x128xf32, #tpu.memory_space<vmem_shared>>) offsets(%arg12 : memref<80xi32, #tpu.memory_space<vmem>>) semaphore(%run_scoped3A : memref<!tpu.dma_semaphore, #tpu.memory_space<semaphore_mem>>) {add = true}
        %dma_wait3A_67 = arith.constant 0 : i32
        %dma_wait3A_68 = arith.constant 0 : i32
        %dma_wait3A_69 = tpu.memref_slice %arg10[%dma_wait3A_67, %dma_wait3A_68] : memref<10240x128xf32, #tpu.memory_space<vmem_shared>> -> memref<10240x128xf32, #tpu.memory_space<vmem_shared>>
        tpu.wait_indirect_dma semaphore(%run_scoped3A : memref<!tpu.dma_semaphore, #tpu.memory_space<semaphore_mem>>) src(%arg16 : memref<80x128xf32, #tpu.memory_space<vmem>>) dst(%dma_wait3A_69 : memref<10240x128xf32, #tpu.memory_space<vmem_shared>>)
        tpu.yield
      }) : () -> ()
    }
    %scan3A_34 = arith.constant 125 : i32
    %barrier3A_35 = arith.constant 0 : index
    tpu.barrier barrier_id(%barrier3A_35)
    %scan3A_36 = arith.constant 0 : i32
    %scan3A_37 = arith.constant 0 : i32
    %scan3A_38 = arith.constant 8 : i32
    %scan3A_39 = arith.addi %scan3A_37, %scan3A_38 : i32
    %scan3A_40 = arith.constant 1 : i32
    scf.for %scan3A_42 = %scan3A_37 to %scan3A_39 step %scan3A_40  : i32 {
      %mul3A_43 = arith.constant 80 : i32
      %mul3A_44 = arith.muli %scan3A_42, %mul3A_43 : i32
      %add3A_45 = arith.addi %mul3A_2, %mul3A_44 : i32
      "tpu.region"() ({
        %run_scoped3A = tpu.sem_alloc : memref<!tpu.dma_semaphore, #tpu.memory_space<semaphore_mem>>
        %dma_start3A = arith.constant 0 : i32
        %dma_start3A_52 = tpu.memref_slice %arg10[%add3A_45, %dma_start3A] : memref<10240x128xf32, #tpu.memory_space<vmem_shared>> -> memref<80x128xf32, #tpu.memory_space<vmem_shared>>
        %dma_start3A_53 = arith.constant 0 : i32
        %dma_start3A_54 = tpu.memref_slice %arg10[%add3A_45, %dma_start3A_53] : memref<10240x128xf32, #tpu.memory_space<vmem_shared>> -> memref<80x128xf32, #tpu.memory_space<vmem_shared>>
        tpu.enqueue_dma source(%dma_start3A_54 : memref<80x128xf32, #tpu.memory_space<vmem_shared>>) target(%arg13 : memref<80x128xf32, #tpu.memory_space<vmem>>) target_semaphore(%run_scoped3A : memref<!tpu.dma_semaphore, #tpu.memory_space<semaphore_mem>>)
        %dma_wait3A = arith.constant 0 : i32
        %dma_wait3A_55 = tpu.memref_slice %arg10[%add3A_45, %dma_wait3A] : memref<10240x128xf32, #tpu.memory_space<vmem_shared>> -> memref<80x128xf32, #tpu.memory_space<vmem_shared>>
        %dma_wait3A_56 = arith.constant 0 : i32
        %dma_wait3A_57 = tpu.memref_slice %arg10[%add3A_45, %dma_wait3A_56] : memref<10240x128xf32, #tpu.memory_space<vmem_shared>> -> memref<80x128xf32, #tpu.memory_space<vmem_shared>>
        tpu.wait_dma2 semaphore(%run_scoped3A : memref<!tpu.dma_semaphore, #tpu.memory_space<semaphore_mem>>) src(%dma_wait3A_57 : memref<80x128xf32, #tpu.memory_space<vmem_shared>>) dst(%arg13 : memref<80x128xf32, #tpu.memory_space<vmem>>)
        tpu.yield
      }) : () -> ()
      %mul3A_46 = arith.constant 10240 : i32
      %mul3A_47 = arith.muli %arg0, %mul3A_46 : i32
      %add3A_48 = arith.addi %mul3A_47, %mul3A_2 : i32
      %mul3A_49 = arith.constant 80 : i32
      %mul3A_50 = arith.muli %scan3A_42, %mul3A_49 : i32
      %add3A_51 = arith.addi %add3A_48, %mul3A_50 : i32
      "tpu.region"() ({
        %run_scoped3A = tpu.sem_alloc : memref<!tpu.dma_semaphore, #tpu.memory_space<semaphore_mem>>
        %dma_start3A = arith.constant 0 : i32
        %dma_start3A_52 = tpu.memref_slice %arg9[%add3A_51, %dma_start3A] : memref<20480x128xf32, #tpu.memory_space<hbm>> -> memref<80x128xf32, #tpu.memory_space<hbm>>
        %dma_start3A_53 = arith.constant 0 : i32
        %dma_start3A_54 = tpu.memref_slice %arg9[%add3A_51, %dma_start3A_53] : memref<20480x128xf32, #tpu.memory_space<hbm>> -> memref<80x128xf32, #tpu.memory_space<hbm>>
        tpu.enqueue_dma source(%arg13 : memref<80x128xf32, #tpu.memory_space<vmem>>) target(%dma_start3A_54 : memref<80x128xf32, #tpu.memory_space<hbm>>) target_semaphore(%run_scoped3A : memref<!tpu.dma_semaphore, #tpu.memory_space<semaphore_mem>>)
        %dma_wait3A = arith.constant 0 : i32
        %dma_wait3A_55 = tpu.memref_slice %arg9[%add3A_51, %dma_wait3A] : memref<20480x128xf32, #tpu.memory_space<hbm>> -> memref<80x128xf32, #tpu.memory_space<hbm>>
        %dma_wait3A_56 = arith.constant 0 : i32
        %dma_wait3A_57 = tpu.memref_slice %arg9[%add3A_51, %dma_wait3A_56] : memref<20480x128xf32, #tpu.memory_space<hbm>> -> memref<80x128xf32, #tpu.memory_space<hbm>>
        tpu.wait_dma2 semaphore(%run_scoped3A : memref<!tpu.dma_semaphore, #tpu.memory_space<semaphore_mem>>) src(%arg13 : memref<80x128xf32, #tpu.memory_space<vmem>>) dst(%dma_wait3A_57 : memref<80x128xf32, #tpu.memory_space<hbm>>)
        tpu.yield
      }) : () -> ()
    }
    %scan3A_41 = arith.constant 8 : i32
    return
  }
}

module attributes {stable_mosaic.version = 14 : i64} {
  func.func @_tc_pre(%arg0: i32, %arg1: memref<1000x128xf32, #tpu.memory_space<vmem>>, %arg2: memref<128x128xf32, #tpu.memory_space<vmem>>, %arg3: memref<128x128xf32, #tpu.memory_space<vmem>>, %arg4: memref<128x128xf32, #tpu.memory_space<vmem>>, %arg5: memref<1000x128xf32, #tpu.memory_space<vmem>>, %arg6: memref<1000x128xf32, #tpu.memory_space<vmem>>, %arg7: memref<1000x128xf32, #tpu.memory_space<vmem>>) attributes {dimension_semantics = [#tpu.dimension_semantics<arbitrary>], iteration_bounds = array<i64: 10>, scalar_prefetch = 0 : i64, scratch_operands = 0 : i64, tpu.core_type = #tpu.core_type<tc>, window_params = [{transform_indices = @transform_0, window_bounds = array<i64: 1000, 128>}, {pipeline_mode = #tpu.pipeline_mode<synchronous>, transform_indices = @transform_1, window_bounds = array<i64: 128, 128>}, {pipeline_mode = #tpu.pipeline_mode<synchronous>, transform_indices = @transform_2, window_bounds = array<i64: 128, 128>}, {pipeline_mode = #tpu.pipeline_mode<synchronous>, transform_indices = @transform_3, window_bounds = array<i64: 128, 128>}, {transform_indices = @transform_4, window_bounds = array<i64: 1000, 128>}, {transform_indices = @transform_5, window_bounds = array<i64: 1000, 128>}, {transform_indices = @transform_6, window_bounds = array<i64: 1000, 128>}]} {
    %get3A = arith.constant 0 : index
    %get3A_0 = arith.constant 0 : index
    %get3A_1 = vector.load %arg1[%get3A, %get3A_0] : memref<1000x128xf32, #tpu.memory_space<vmem>>, vector<1000x128xf32>
    %get3A_2 = arith.constant 0 : index
    %get3A_3 = arith.constant 0 : index
    %get3A_4 = vector.load %arg2[%get3A_2, %get3A_3] : memref<128x128xf32, #tpu.memory_space<vmem>>, vector<128x128xf32>
    %dot_general3A = arith.constant dense<0.000000e+00> : vector<1000x128xf32>
    %dot_general3A_5 = tpu.matmul %get3A_1, %get3A_4, %dot_general3A {dimension_numbers = #tpu.dot_dimension_numbers<[1], [0], [0], [1], [0, 0, 1, 1], [], []>, transpose_lhs_hint = false} : vector<1000x128xf32>, vector<128x128xf32>, vector<1000x128xf32> -> vector<1000x128xf32>
    %swap3A = arith.constant 0 : index
    %swap3A_6 = arith.constant 0 : index
    %swap3A_7 = vector.load %arg5[%swap3A, %swap3A_6] : memref<1000x128xf32, #tpu.memory_space<vmem>>, vector<1000x128xf32>
    tpu.vector_store %arg5[%swap3A, %swap3A_6], %dot_general3A_5 {strides = array<i32>} : memref<1000x128xf32, #tpu.memory_space<vmem>>, vector<1000x128xf32>,
    %get3A_8 = arith.constant 0 : index
    %get3A_9 = arith.constant 0 : index
    %get3A_10 = vector.load %arg3[%get3A_8, %get3A_9] : memref<128x128xf32, #tpu.memory_space<vmem>>, vector<128x128xf32>
    %dot_general3A_11 = arith.constant dense<0.000000e+00> : vector<1000x128xf32>
    %dot_general3A_12 = tpu.matmul %dot_general3A_5, %get3A_10, %dot_general3A_11 {dimension_numbers = #tpu.dot_dimension_numbers<[1], [0], [0], [1], [0, 0, 1, 1], [], []>, transpose_lhs_hint = false} : vector<1000x128xf32>, vector<128x128xf32>, vector<1000x128xf32> -> vector<1000x128xf32>
    %swap3A_13 = arith.constant 0 : index
    %swap3A_14 = arith.constant 0 : index
    %swap3A_15 = vector.load %arg6[%swap3A_13, %swap3A_14] : memref<1000x128xf32, #tpu.memory_space<vmem>>, vector<1000x128xf32>
    tpu.vector_store %arg6[%swap3A_13, %swap3A_14], %dot_general3A_12 {strides = array<i32>} : memref<1000x128xf32, #tpu.memory_space<vmem>>, vector<1000x128xf32>,
    %get3A_16 = arith.constant 0 : index
    %get3A_17 = arith.constant 0 : index
    %get3A_18 = vector.load %arg4[%get3A_16, %get3A_17] : memref<128x128xf32, #tpu.memory_space<vmem>>, vector<128x128xf32>
    %dot_general3A_19 = arith.constant dense<0.000000e+00> : vector<1000x128xf32>
    %dot_general3A_20 = tpu.matmul %dot_general3A_5, %get3A_18, %dot_general3A_19 {dimension_numbers = #tpu.dot_dimension_numbers<[1], [0], [0], [1], [0, 0, 1, 1], [], []>, transpose_lhs_hint = false} : vector<1000x128xf32>, vector<128x128xf32>, vector<1000x128xf32> -> vector<1000x128xf32>
    %swap3A_21 = arith.constant 0 : index
    %swap3A_22 = arith.constant 0 : index
    %swap3A_23 = vector.load %arg7[%swap3A_21, %swap3A_22] : memref<1000x128xf32, #tpu.memory_space<vmem>>, vector<1000x128xf32>
    tpu.vector_store %arg7[%swap3A_21, %swap3A_22], %dot_general3A_20 {strides = array<i32>} : memref<1000x128xf32, #tpu.memory_space<vmem>>, vector<1000x128xf32>,
    return
  }
  func.func @transform_0(%arg0: i32) -> (i32, i32) {
    %c0_i32 = arith.constant 0 : i32
    %c0_i32_0 = arith.constant 0 : i32
    return %arg0, %c0_i32 : i32, i32
  }
  func.func @transform_1(%arg0: i32) -> (i32, i32) {
    %c0_i32 = arith.constant 0 : i32
    %c0_i32_0 = arith.constant 0 : i32
    %c0_i32_1 = arith.constant 0 : i32
    return %c0_i32, %c0_i32_0 : i32, i32
  }
  func.func @transform_2(%arg0: i32) -> (i32, i32) {
    %c0_i32 = arith.constant 0 : i32
    %c0_i32_0 = arith.constant 0 : i32
    %c0_i32_1 = arith.constant 0 : i32
    return %c0_i32, %c0_i32_0 : i32, i32
  }
  func.func @transform_3(%arg0: i32) -> (i32, i32) {
    %c0_i32 = arith.constant 0 : i32
    %c0_i32_0 = arith.constant 0 : i32
    %c0_i32_1 = arith.constant 0 : i32
    return %c0_i32, %c0_i32_0 : i32, i32
  }
  func.func @transform_4(%arg0: i32) -> (i32, i32) {
    %c0_i32 = arith.constant 0 : i32
    %c0_i32_0 = arith.constant 0 : i32
    return %arg0, %c0_i32 : i32, i32
  }
  func.func @transform_5(%arg0: i32) -> (i32, i32) {
    %c0_i32 = arith.constant 0 : i32
    %c0_i32_0 = arith.constant 0 : i32
    return %arg0, %c0_i32 : i32, i32
  }
  func.func @transform_6(%arg0: i32) -> (i32, i32) {
    %c0_i32 = arith.constant 0 : i32
    %c0_i32_0 = arith.constant 0 : i32
    return %arg0, %c0_i32 : i32, i32
  }
}

module attributes {stable_mosaic.version = 14 : i64} {
  func.func @_tc_mid(%arg0: i32, %arg1: memref<1000x128xf32, #tpu.memory_space<vmem>>, %arg2: memref<1000x128xf32, #tpu.memory_space<vmem>>, %arg3: memref<1000x128xf32, #tpu.memory_space<vmem>>, %arg4: memref<1000x128xf32, #tpu.memory_space<vmem>>, %arg5: memref<1x128xf32, #tpu.memory_space<vmem>>, %arg6: memref<128x128xf32, #tpu.memory_space<vmem>>, %arg7: memref<1x128xf32, #tpu.memory_space<vmem>>, %arg8: memref<1x128xf32, #tpu.memory_space<vmem>>, %arg9: memref<1x128xf32, #tpu.memory_space<vmem>>, %arg10: memref<1000x128xf32, #tpu.memory_space<vmem>>, %arg11: memref<8x128xf32, #tpu.memory_space<vmem>>) attributes {dimension_semantics = [#tpu.dimension_semantics<arbitrary>], iteration_bounds = array<i64: 10>, scalar_prefetch = 0 : i64, scratch_operands = 0 : i64, tpu.core_type = #tpu.core_type<tc>, window_params = [{transform_indices = @transform_0, window_bounds = array<i64: 1000, 128>}, {transform_indices = @transform_1, window_bounds = array<i64: 1000, 128>}, {transform_indices = @transform_2, window_bounds = array<i64: 1000, 128>}, {transform_indices = @transform_3, window_bounds = array<i64: 1000, 128>}, {pipeline_mode = #tpu.pipeline_mode<synchronous>, transform_indices = @transform_4, window_bounds = array<i64: 1, 128>}, {pipeline_mode = #tpu.pipeline_mode<synchronous>, transform_indices = @transform_5, window_bounds = array<i64: 128, 128>}, {pipeline_mode = #tpu.pipeline_mode<synchronous>, transform_indices = @transform_6, window_bounds = array<i64: 1, 128>}, {pipeline_mode = #tpu.pipeline_mode<synchronous>, transform_indices = @transform_7, window_bounds = array<i64: 1, 128>}, {pipeline_mode = #tpu.pipeline_mode<synchronous>, transform_indices = @transform_8, window_bounds = array<i64: 1, 128>}, {transform_indices = @transform_9, window_bounds = array<i64: 1000, 128>}, {pipeline_mode = #tpu.pipeline_mode<synchronous>, transform_indices = @transform_10, window_bounds = array<i64: 8, 128>}]} {
    %get3A = arith.constant 0 : index
    %get3A_0 = arith.constant 0 : index
    %get3A_1 = vector.load %arg1[%get3A, %get3A_0] : memref<1000x128xf32, #tpu.memory_space<vmem>>, vector<1000x128xf32>
    %get3A_2 = arith.constant 0 : index
    %get3A_3 = arith.constant 0 : index
    %get3A_4 = vector.load %arg2[%get3A_2, %get3A_3] : memref<1000x128xf32, #tpu.memory_space<vmem>>, vector<1000x128xf32>
    %add3A = arith.addf %get3A_1, %get3A_4 : vector<1000x128xf32>
    %get3A_5 = arith.constant 0 : index
    %get3A_6 = arith.constant 0 : index
    %get3A_7 = vector.load %arg3[%get3A_5, %get3A_6] : memref<1000x128xf32, #tpu.memory_space<vmem>>, vector<1000x128xf32>
    %get3A_8 = arith.constant 0 : index
    %get3A_9 = arith.constant 0 : index
    %get3A_10 = vector.load %arg4[%get3A_8, %get3A_9] : memref<1000x128xf32, #tpu.memory_space<vmem>>, vector<1000x128xf32>
    %add3A_11 = arith.addf %get3A_7, %get3A_10 : vector<1000x128xf32>
    %add3A_12 = arith.constant 1.000000e-16 : f32
    %add3A_13 = vector.broadcast %add3A_12 : f32 to vector<1000x128xf32>
    %add3A_14 = arith.addf %add3A_11, %add3A_13 : vector<1000x128xf32>
    %div3A = arith.divf %add3A, %add3A_14 : vector<1000x128xf32>
    %get3A_15 = arith.constant 0 : index
    %get3A_16 = arith.constant 0 : index
    %get3A_17 = vector.load %arg5[%get3A_15, %get3A_16] : memref<1x128xf32, #tpu.memory_space<vmem>>, vector<1x128xf32>
    %add3A_18 = vector.broadcast %get3A_17 : vector<1x128xf32> to vector<1000x128xf32>
    %add3A_19 = arith.addf %div3A, %add3A_18 : vector<1000x128xf32>
    %get3A_20 = arith.constant 0 : index
    %get3A_21 = arith.constant 0 : index
    %get3A_22 = vector.load %arg6[%get3A_20, %get3A_21] : memref<128x128xf32, #tpu.memory_space<vmem>>, vector<128x128xf32>
    %dot_general3A = arith.constant dense<0.000000e+00> : vector<1000x128xf32>
    %dot_general3A_23 = tpu.matmul %add3A_19, %get3A_22, %dot_general3A {dimension_numbers = #tpu.dot_dimension_numbers<[1], [0], [0], [1], [0, 0, 1, 1], [], []>, transpose_lhs_hint = false} : vector<1000x128xf32>, vector<128x128xf32>, vector<1000x128xf32> -> vector<1000x128xf32>
    %get3A_24 = arith.constant 0 : index
    %get3A_25 = arith.constant 0 : index
    %get3A_26 = vector.load %arg7[%get3A_24, %get3A_25] : memref<1x128xf32, #tpu.memory_space<vmem>>, vector<1x128xf32>
    %add3A_27 = vector.broadcast %get3A_26 : vector<1x128xf32> to vector<1000x128xf32>
    %add3A_28 = arith.addf %dot_general3A_23, %add3A_27 : vector<1000x128xf32>
    %ge3A = arith.constant 0.000000e+00 : f32
    %ge3A_29 = vector.broadcast %ge3A : f32 to vector<1000x128xf32>
    %ge3A_30 = arith.cmpf oge, %add3A_28, %ge3A_29 : vector<1000x128xf32>
    %mul3A = arith.constant 0.00999999977 : f32
    %mul3A_31 = vector.broadcast %mul3A : f32 to vector<1000x128xf32>
    %mul3A_32 = arith.mulf %mul3A_31, %add3A_28 : vector<1000x128xf32>
    %select_n3A = arith.select %ge3A_30, %add3A_28, %mul3A_32 : vector<1000x128xi1>, vector<1000x128xf32>
    %reduce_max3A = arith.constant dense<0xFF800000> : vector<1000xf32>
    %reduce_max3A_33 = vector.multi_reduction <maximumf>, %select_n3A, %reduce_max3A [1] : vector<1000x128xf32> to vector<1000xf32>
    %broadcast_in_dim3A = vector.shape_cast %reduce_max3A_33 : vector<1000xf32> to vector<1000x1xf32>
    %sub3A = vector.broadcast %broadcast_in_dim3A : vector<1000x1xf32> to vector<1000x128xf32>
    %sub3A_34 = arith.subf %select_n3A, %sub3A : vector<1000x128xf32>
    %exp3A = math.exp %sub3A_34 : vector<1000x128xf32>
    %reduce_sum3A = arith.constant dense<0.000000e+00> : vector<1000xf32>
    %reduce_sum3A_35 = vector.multi_reduction <add>, %exp3A, %reduce_sum3A [1] : vector<1000x128xf32> to vector<1000xf32>
    %broadcast_in_dim3A_36 = vector.shape_cast %reduce_sum3A_35 : vector<1000xf32> to vector<1000x1xf32>
    %div3A_37 = vector.broadcast %broadcast_in_dim3A_36 : vector<1000x1xf32> to vector<1000x128xf32>
    %div3A_38 = arith.divf %exp3A, %div3A_37 : vector<1000x128xf32>
    %mul3A_39 = arith.mulf %add3A_19, %div3A_38 : vector<1000x128xf32>
    %ge3A_40 = arith.constant 0.000000e+00 : f32
    %ge3A_41 = vector.broadcast %ge3A_40 : f32 to vector<1000x128xf32>
    %ge3A_42 = arith.cmpf oge, %mul3A_39, %ge3A_41 : vector<1000x128xf32>
    %mul3A_43 = arith.constant 2.000000e-01 : f32
    %mul3A_44 = vector.broadcast %mul3A_43 : f32 to vector<1000x128xf32>
    %mul3A_45 = arith.mulf %mul3A_44, %mul3A_39 : vector<1000x128xf32>
    %select_n3A_46 = arith.select %ge3A_42, %mul3A_39, %mul3A_45 : vector<1000x128xi1>, vector<1000x128xf32>
    %get3A_47 = arith.constant 0 : index
    %get3A_48 = arith.constant 0 : index
    %get3A_49 = vector.load %arg6[%get3A_47, %get3A_48] : memref<128x128xf32, #tpu.memory_space<vmem>>, vector<128x128xf32>
    %dot_general3A_50 = arith.constant dense<0.000000e+00> : vector<1000x128xf32>
    %dot_general3A_51 = tpu.matmul %select_n3A_46, %get3A_49, %dot_general3A_50 {dimension_numbers = #tpu.dot_dimension_numbers<[1], [0], [0], [1], [0, 0, 1, 1], [], []>, transpose_lhs_hint = false} : vector<1000x128xf32>, vector<128x128xf32>, vector<1000x128xf32> -> vector<1000x128xf32>
    %get3A_52 = arith.constant 0 : index
    %get3A_53 = arith.constant 0 : index
    %get3A_54 = vector.load %arg7[%get3A_52, %get3A_53] : memref<1x128xf32, #tpu.memory_space<vmem>>, vector<1x128xf32>
    %add3A_55 = vector.broadcast %get3A_54 : vector<1x128xf32> to vector<1000x128xf32>
    %add3A_56 = arith.addf %dot_general3A_51, %add3A_55 : vector<1000x128xf32>
    %reduce_sum3A_57 = arith.constant dense<0.000000e+00> : vector<1000xf32>
    %reduce_sum3A_58 = vector.multi_reduction <add>, %add3A_56, %reduce_sum3A_57 [1] : vector<1000x128xf32> to vector<1000xf32>
    %broadcast_in_dim3A_59 = vector.shape_cast %reduce_sum3A_58 : vector<1000xf32> to vector<1000x1xf32>
    %div3A_60 = arith.constant 1.280000e+02 : f32
    %div3A_61 = vector.broadcast %div3A_60 : f32 to vector<1000x1xf32>
    %div3A_62 = arith.divf %broadcast_in_dim3A_59, %div3A_61 : vector<1000x1xf32>
    %sub3A_63 = vector.broadcast %div3A_62 : vector<1000x1xf32> to vector<1000x128xf32>
    %sub3A_64 = arith.subf %add3A_56, %sub3A_63 : vector<1000x128xf32>
    %mul3A_65 = arith.mulf %sub3A_64, %sub3A_64 : vector<1000x128xf32>
    %reduce_sum3A_66 = arith.constant dense<0.000000e+00> : vector<1000xf32>
    %reduce_sum3A_67 = vector.multi_reduction <add>, %mul3A_65, %reduce_sum3A_66 [1] : vector<1000x128xf32> to vector<1000xf32>
    %broadcast_in_dim3A_68 = vector.shape_cast %reduce_sum3A_67 : vector<1000xf32> to vector<1000x1xf32>
    %div3A_69 = arith.constant 1.280000e+02 : f32
    %div3A_70 = vector.broadcast %div3A_69 : f32 to vector<1000x1xf32>
    %div3A_71 = arith.divf %broadcast_in_dim3A_68, %div3A_70 : vector<1000x1xf32>
    %add3A_72 = arith.constant 9.99999974E-6 : f32
    %add3A_73 = vector.broadcast %add3A_72 : f32 to vector<1000x1xf32>
    %add3A_74 = arith.addf %div3A_71, %add3A_73 : vector<1000x1xf32>
    %rsqrt3A = math.rsqrt %add3A_74 : vector<1000x1xf32>
    %mul3A_75 = vector.broadcast %rsqrt3A : vector<1000x1xf32> to vector<1000x128xf32>
    %mul3A_76 = arith.mulf %sub3A_64, %mul3A_75 : vector<1000x128xf32>
    %get3A_77 = arith.constant 0 : index
    %get3A_78 = arith.constant 0 : index
    %get3A_79 = vector.load %arg8[%get3A_77, %get3A_78] : memref<1x128xf32, #tpu.memory_space<vmem>>, vector<1x128xf32>
    %mul3A_80 = vector.broadcast %get3A_79 : vector<1x128xf32> to vector<1000x128xf32>
    %mul3A_81 = arith.mulf %mul3A_76, %mul3A_80 : vector<1000x128xf32>
    %get3A_82 = arith.constant 0 : index
    %get3A_83 = arith.constant 0 : index
    %get3A_84 = vector.load %arg9[%get3A_82, %get3A_83] : memref<1x128xf32, #tpu.memory_space<vmem>>, vector<1x128xf32>
    %add3A_85 = vector.broadcast %get3A_84 : vector<1x128xf32> to vector<1000x128xf32>
    %add3A_86 = arith.addf %mul3A_81, %add3A_85 : vector<1000x128xf32>
    %mul3A_87 = arith.mulf %add3A_86, %add3A_86 : vector<1000x128xf32>
    %reduce_sum3A_88 = arith.constant dense<0.000000e+00> : vector<1000xf32>
    %reduce_sum3A_89 = vector.multi_reduction <add>, %mul3A_87, %reduce_sum3A_88 [1] : vector<1000x128xf32> to vector<1000xf32>
    %broadcast_in_dim3A_90 = vector.shape_cast %reduce_sum3A_89 : vector<1000xf32> to vector<1000x1xf32>
    %sqrt3A = math.sqrt %broadcast_in_dim3A_90 : vector<1000x1xf32>
    %max3A = arith.constant 9.99999996E-13 : f32
    %max3A_91 = vector.broadcast %max3A : f32 to vector<1000x1xf32>
    %max3A_92 = arith.maximumf %sqrt3A, %max3A_91 : vector<1000x1xf32>
    %div3A_93 = vector.broadcast %max3A_92 : vector<1000x1xf32> to vector<1000x128xf32>
    %div3A_94 = arith.divf %add3A_86, %div3A_93 : vector<1000x128xf32>
    %swap3A = arith.constant 0 : index
    %swap3A_95 = arith.constant 0 : index
    %swap3A_96 = vector.load %arg10[%swap3A, %swap3A_95] : memref<1000x128xf32, #tpu.memory_space<vmem>>, vector<1000x128xf32>
    tpu.vector_store %arg10[%swap3A, %swap3A_95], %div3A_94 {strides = array<i32>} : memref<1000x128xf32, #tpu.memory_space<vmem>>, vector<1000x128xf32>,
    %reduce_sum3A_97 = arith.constant dense<0.000000e+00> : vector<128xf32>
    %reduce_sum3A_98 = vector.multi_reduction <add>, %div3A_94, %reduce_sum3A_97 [0] : vector<1000x128xf32> to vector<128xf32>
    %broadcast_in_dim3A_99 = vector.shape_cast %reduce_sum3A_98 : vector<128xf32> to vector<1x128xf32>
    %broadcast_in_dim3A_100 = vector.shape_cast %broadcast_in_dim3A_99 : vector<1x128xf32> to vector<1x128xf32>
    %broadcast_in_dim3A_101 = vector.broadcast %broadcast_in_dim3A_100 : vector<1x128xf32> to vector<8x128xf32>
    %eq3A = arith.constant 0 : i32
    %eq3A_102 = arith.cmpi eq, %arg0, %eq3A : i32
    %convert_element_type3A = arith.extui %eq3A_102 : i1 to i32
    %cond3A = arith.constant 0 : i32
    %cond3A_103 = arith.cmpi ne, %convert_element_type3A, %cond3A : i32
    scf.if %cond3A_103 {
      %swap3A_108 = arith.constant 0 : index
      %swap3A_109 = arith.constant 0 : index
      %swap3A_110 = vector.load %arg11[%swap3A_108, %swap3A_109] : memref<8x128xf32, #tpu.memory_space<vmem>>, vector<8x128xf32>
      tpu.vector_store %arg11[%swap3A_108, %swap3A_109], %broadcast_in_dim3A_101 {strides = array<i32>} : memref<8x128xf32, #tpu.memory_space<vmem>>, vector<8x128xf32>,
    } else {
    }
    %ne3A = arith.constant 0 : i32
    %ne3A_104 = arith.cmpi ne, %arg0, %ne3A : i32
    %convert_element_type3A_105 = arith.extui %ne3A_104 : i1 to i32
    %cond3A_106 = arith.constant 0 : i32
    %cond3A_107 = arith.cmpi ne, %convert_element_type3A_105, %cond3A_106 : i32
    scf.if %cond3A_107 {
      %get3A_108 = arith.constant 0 : index
      %get3A_109 = arith.constant 0 : index
      %get3A_110 = vector.load %arg11[%get3A_108, %get3A_109] : memref<8x128xf32, #tpu.memory_space<vmem>>, vector<8x128xf32>
      %add3A_111 = arith.addf %get3A_110, %broadcast_in_dim3A_101 : vector<8x128xf32>
      %swap3A_112 = arith.constant 0 : index
      %swap3A_113 = arith.constant 0 : index
      %swap3A_114 = vector.load %arg11[%swap3A_112, %swap3A_113] : memref<8x128xf32, #tpu.memory_space<vmem>>, vector<8x128xf32>
      tpu.vector_store %arg11[%swap3A_112, %swap3A_113], %add3A_111 {strides = array<i32>} : memref<8x128xf32, #tpu.memory_space<vmem>>, vector<8x128xf32>,
    } else {
    }
    return
  }
  func.func @transform_0(%arg0: i32) -> (i32, i32) {
    %c0_i32 = arith.constant 0 : i32
    %c0_i32_0 = arith.constant 0 : i32
    return %arg0, %c0_i32 : i32, i32
  }
  func.func @transform_1(%arg0: i32) -> (i32, i32) {
    %c0_i32 = arith.constant 0 : i32
    %c0_i32_0 = arith.constant 0 : i32
    return %arg0, %c0_i32 : i32, i32
  }
  func.func @transform_2(%arg0: i32) -> (i32, i32) {
    %c0_i32 = arith.constant 0 : i32
    %c0_i32_0 = arith.constant 0 : i32
    return %arg0, %c0_i32 : i32, i32
  }
  func.func @transform_3(%arg0: i32) -> (i32, i32) {
    %c0_i32 = arith.constant 0 : i32
    %c0_i32_0 = arith.constant 0 : i32
    return %arg0, %c0_i32 : i32, i32
  }
  func.func @transform_4(%arg0: i32) -> (i32, i32) {
    %c0_i32 = arith.constant 0 : i32
    %c0_i32_0 = arith.constant 0 : i32
    %c0_i32_1 = arith.constant 0 : i32
    return %c0_i32, %c0_i32_0 : i32, i32
  }
  func.func @transform_5(%arg0: i32) -> (i32, i32) {
    %c0_i32 = arith.constant 0 : i32
    %c0_i32_0 = arith.constant 0 : i32
    %c0_i32_1 = arith.constant 0 : i32
    return %c0_i32, %c0_i32_0 : i32, i32
  }
  func.func @transform_6(%arg0: i32) -> (i32, i32) {
    %c0_i32 = arith.constant 0 : i32
    %c0_i32_0 = arith.constant 0 : i32
    %c0_i32_1 = arith.constant 0 : i32
    return %c0_i32, %c0_i32_0 : i32, i32
  }
  func.func @transform_7(%arg0: i32) -> (i32, i32) {
    %c0_i32 = arith.constant 0 : i32
    %c0_i32_0 = arith.constant 0 : i32
    %c0_i32_1 = arith.constant 0 : i32
    return %c0_i32, %c0_i32_0 : i32, i32
  }
  func.func @transform_8(%arg0: i32) -> (i32, i32) {
    %c0_i32 = arith.constant 0 : i32
    %c0_i32_0 = arith.constant 0 : i32
    %c0_i32_1 = arith.constant 0 : i32
    return %c0_i32, %c0_i32_0 : i32, i32
  }
  func.func @transform_9(%arg0: i32) -> (i32, i32) {
    %c0_i32 = arith.constant 0 : i32
    %c0_i32_0 = arith.constant 0 : i32
    return %arg0, %c0_i32 : i32, i32
  }
  func.func @transform_10(%arg0: i32) -> (i32, i32) {
    %c0_i32 = arith.constant 0 : i32
    %c0_i32_0 = arith.constant 0 : i32
    %c0_i32_1 = arith.constant 0 : i32
    return %c0_i32, %c0_i32_0 : i32, i32
  }
}

module attributes {stable_mosaic.version = 14 : i64} {
  func.func @_tc_fin(%arg0: i32, %arg1: memref<8x128xf32, #tpu.memory_space<vmem>>, %arg2: memref<128x128xf32, #tpu.memory_space<vmem>>, %arg3: memref<1x128xf32, #tpu.memory_space<vmem>>, %arg4: memref<1000x128xf32, #tpu.memory_space<vmem>>, %arg5: memref<1000x128xf32, #tpu.memory_space<vmem>>) attributes {dimension_semantics = [#tpu.dimension_semantics<arbitrary>], iteration_bounds = array<i64: 10>, scalar_prefetch = 0 : i64, scratch_operands = 0 : i64, tpu.core_type = #tpu.core_type<tc>, window_params = [{pipeline_mode = #tpu.pipeline_mode<synchronous>, transform_indices = @transform_0, window_bounds = array<i64: 8, 128>}, {pipeline_mode = #tpu.pipeline_mode<synchronous>, transform_indices = @transform_1, window_bounds = array<i64: 128, 128>}, {pipeline_mode = #tpu.pipeline_mode<synchronous>, transform_indices = @transform_2, window_bounds = array<i64: 1, 128>}, {transform_indices = @transform_3, window_bounds = array<i64: 1000, 128>}, {transform_indices = @transform_4, window_bounds = array<i64: 1000, 128>}]} {
    %get3A = arith.constant 0 : index
    %get3A_0 = arith.constant 0 : index
    %get3A_1 = vector.load %arg1[%get3A, %get3A_0] : memref<8x128xf32, #tpu.memory_space<vmem>>, vector<8x128xf32>
    %reduce_sum3A = arith.constant dense<0.000000e+00> : vector<128xf32>
    %reduce_sum3A_2 = vector.multi_reduction <add>, %get3A_1, %reduce_sum3A [0] : vector<8x128xf32> to vector<128xf32>
    %broadcast_in_dim3A = vector.shape_cast %reduce_sum3A_2 : vector<128xf32> to vector<1x128xf32>
    %mul3A = arith.constant 1.250000e-05 : f32
    %mul3A_3 = vector.broadcast %mul3A : f32 to vector<1x128xf32>
    %mul3A_4 = arith.mulf %broadcast_in_dim3A, %mul3A_3 : vector<1x128xf32>
    %get3A_5 = arith.constant 0 : index
    %get3A_6 = arith.constant 0 : index
    %get3A_7 = vector.load %arg2[%get3A_5, %get3A_6] : memref<128x128xf32, #tpu.memory_space<vmem>>, vector<128x128xf32>
    %dot_general3A = arith.constant dense<0.000000e+00> : vector<1x128xf32>
    %dot_general3A_8 = tpu.matmul %mul3A_4, %get3A_7, %dot_general3A {dimension_numbers = #tpu.dot_dimension_numbers<[1], [0], [0], [1], [0, 0, 1, 1], [], []>, transpose_lhs_hint = false} : vector<1x128xf32>, vector<128x128xf32>, vector<1x128xf32> -> vector<1x128xf32>
    %get3A_9 = arith.constant 0 : index
    %get3A_10 = arith.constant 0 : index
    %get3A_11 = vector.load %arg3[%get3A_9, %get3A_10] : memref<1x128xf32, #tpu.memory_space<vmem>>, vector<1x128xf32>
    %add3A = arith.addf %dot_general3A_8, %get3A_11 : vector<1x128xf32>
    %max3A = arith.constant 0.000000e+00 : f32
    %max3A_12 = vector.broadcast %max3A : f32 to vector<1x128xf32>
    %max3A_13 = arith.maximumf %add3A, %max3A_12 : vector<1x128xf32>
    %reduce_max3A = arith.constant dense<0xFF800000> : vector<1xf32>
    %reduce_max3A_14 = vector.multi_reduction <maximumf>, %max3A_13, %reduce_max3A [1] : vector<1x128xf32> to vector<1xf32>
    %broadcast_in_dim3A_15 = vector.shape_cast %reduce_max3A_14 : vector<1xf32> to vector<1x1xf32>
    %sub3A = vector.broadcast %broadcast_in_dim3A_15 : vector<1x1xf32> to vector<1x128xf32>
    %sub3A_16 = arith.subf %max3A_13, %sub3A : vector<1x128xf32>
    %exp3A = math.exp %sub3A_16 : vector<1x128xf32>
    %reduce_sum3A_17 = arith.constant dense<0.000000e+00> : vector<1xf32>
    %reduce_sum3A_18 = vector.multi_reduction <add>, %exp3A, %reduce_sum3A_17 [1] : vector<1x128xf32> to vector<1xf32>
    %broadcast_in_dim3A_19 = vector.shape_cast %reduce_sum3A_18 : vector<1xf32> to vector<1x1xf32>
    %div3A = vector.broadcast %broadcast_in_dim3A_19 : vector<1x1xf32> to vector<1x128xf32>
    %div3A_20 = arith.divf %exp3A, %div3A : vector<1x128xf32>
    %get3A_21 = arith.constant 0 : index
    %get3A_22 = arith.constant 0 : index
    %get3A_23 = vector.load %arg4[%get3A_21, %get3A_22] : memref<1000x128xf32, #tpu.memory_space<vmem>>, vector<1000x128xf32>
    %mul3A_24 = vector.broadcast %div3A_20 : vector<1x128xf32> to vector<1000x128xf32>
    %mul3A_25 = arith.mulf %get3A_23, %mul3A_24 : vector<1000x128xf32>
    %swap3A = arith.constant 0 : index
    %swap3A_26 = arith.constant 0 : index
    %swap3A_27 = vector.load %arg5[%swap3A, %swap3A_26] : memref<1000x128xf32, #tpu.memory_space<vmem>>, vector<1000x128xf32>
    tpu.vector_store %arg5[%swap3A, %swap3A_26], %mul3A_25 {strides = array<i32>} : memref<1000x128xf32, #tpu.memory_space<vmem>>, vector<1000x128xf32>,
    return
  }
  func.func @transform_0(%arg0: i32) -> (i32, i32) {
    %c0_i32 = arith.constant 0 : i32
    %c0_i32_0 = arith.constant 0 : i32
    %c0_i32_1 = arith.constant 0 : i32
    return %c0_i32, %c0_i32_0 : i32, i32
  }
  func.func @transform_1(%arg0: i32) -> (i32, i32) {
    %c0_i32 = arith.constant 0 : i32
    %c0_i32_0 = arith.constant 0 : i32
    %c0_i32_1 = arith.constant 0 : i32
    return %c0_i32, %c0_i32_0 : i32, i32
  }
  func.func @transform_2(%arg0: i32) -> (i32, i32) {
    %c0_i32 = arith.constant 0 : i32
    %c0_i32_0 = arith.constant 0 : i32
    %c0_i32_1 = arith.constant 0 : i32
    return %c0_i32, %c0_i32_0 : i32, i32
  }
  func.func @transform_3(%arg0: i32) -> (i32, i32) {
    %c0_i32 = arith.constant 0 : i32
    %c0_i32_0 = arith.constant 0 : i32
    return %arg0, %c0_i32 : i32, i32
  }
  func.func @transform_4(%arg0: i32) -> (i32, i32) {
    %c0_i32 = arith.constant 0 : i32
    %c0_i32_0 = arith.constant 0 : i32
    return %arg0, %c0_i32 : i32, i32
  }
}

</mosaic_0001>

<sc_bundles>
// kernel: kernel.6.cloned.1.call-start
scs
__scs_entry_jumppad:
0x0: {  	(pc) =	sbr.rel $0x88, $3  }
0x1: {  	(tag) =	ssettag $0x0;
	lr =	simm.s32 $0x1  }
0x2: {  	[smem:$0x3F95] =	sst lr;
	_ =	strace $0xD0000000  }
0x3: {  	_ = 	snop  }
0x4: {  	_ = 	snop  }
0x5: {  	_ = 	snop  }
0x6: {  	_ = 	snop  }
0x7: {  	_ = 	snop  }
__scs_overlays_trampoline_lowered:
0x8: {  	[smem:$0x3FA4] =	sst s0  }
0x9: {  	[smem:$0x3FA5] =	sst s1  }
0xa: {  	[smem:$0x3FA6] =	sst s2  }
0xb: {  	[smem:$0x3FA7] =	sst s3  }
0xc: {  	[smem:$0x3FA8] =	sst s4  }
0xd: {  	[smem:$0x3FA9] =	sst s5  }
0xe: {  	[smem:$0x3FAA] =	sst s6  }
0xf: {  	[smem:$0x3FAB] =	sst s7  }
0x10: {  	[smem:$0x3FAC] =	sst s8  }
0x11: {  	[smem:$0x3FAD] =	sst s9;
	s0 =	simm.s32 @!p0 $0x0  }
0x12: {  	s1 =	sld [smem:$0x3F93];
	s0 =	simm.s32 @p0 $0x1  }
0x13: {  	[smem:$0x3FAE] =	sst s0;
	s0 =	simm.s32 @!p1 $0x0  }
0x14: {  	s2 =	sld [smem:$0x3F92];
	s0 =	simm.s32 @p1 $0x1  }
0x15: {  	[smem:$0x3FAF] =	sst s0;
	s0 =	simm.s32 @!p2 $0x0  }
0x16: {  	s3 =	sld [smem:$0x3FDB];
	s0 =	simm.s32 @p2 $0x1  }
0x17: {  	s4 =	simm.s32 $0x1BF5;
	[smem:$0x3FB1] =	sst s0  }
0x18: {  	s0 =	sld [smem:$0x3F94];
	_ =	swait.ge [sflag:s4], $0x0  }
0x19: {  	s7 =	sld [smem:$0x3F95]  }
0x1a: {  	s8 =	sadd.s32 $0xFFFFE003, lr  }
0x1b: {  	s9 =	sadd.s32 $0xFFFFFEF7, lr;
	s5 =	simm.s32 $0xFFFFFFFF;
	p2 =	slt.u32 s8, $0xFFFFF086  }
0x1c: {  	p1 =	slt.u32 s9, $0xF7A;
	s5 =	simm.s32 @!p2 $0x0  }
0x1d: {  	s5 =	simm.s32 @p1 $0x1;
	p0 =	seq.s32 s7, s2  }
0x1e: {  	s7 =	smul.u32 @!p0 $0xF7A, s2;
	p2 =	seq.s32 @!p0 s5, $0x0  }
0x1f: {  	s9 =	smul.u32 $0xF7A, s1;
	s8 =	simm.s32 @!p0 $0x1BF5;
	p2 =	por !p2, p0  }
0x20: {  	[sflag:s8] =	ssyncset.s32 @!p0 $0xFFFFF086;
	s6 =	sadd.s32 @!p0 s3, s7;
	s7 =	simm.s32 @!p0 $0x108  }
0x21: {  	s3 =	sadd.s32 s3, s9;
	s6 =	sadd.s32 @!p0 $0x88, s6;
	s7 =	simm.s32 @p2 $0x1082  }
0x22: {  	[simem:s7], [sflag:s8] =	dma.local @!p0 [hbm:s6], $0xF7A  }
0x23: {  	s9 =	sor.u32 $0xD0000000, s2;
	s6 =	simm.s32 $0x108;
	_ =	swait.ge @!p0 [sflag:s8], $0x0  }
0x24: {  	s3 =	sadd.s32 $0x88, s3;
	s6 =	simm.s32 @!p1 $0x1082;
	[sflag:s4] =	ssyncset.s32 $0xFFFFF086  }
0x25: {  	[simem:s6], [sflag:s4] =	dma.local [hbm:s3], $0xF7A  }
0x26: {  	[smem:$0x3F95] =	sst s1;
	(tag) =	ssettag s2;
	_ =	strace s9  }
0x27: {  	s1 =	sld [smem:$0x3FA5]  }
0x28: {  	s2 =	sld [smem:$0x3FA6]  }
0x29: {  	s4 =	sld [smem:$0x3FA8]  }
0x2a: {  	p0 =	seq.s32 s5, $0x0;
	s5 =	sld [smem:$0x3FA9]  }
0x2b: {  	s6 =	sld [smem:$0x3FAA]  }
0x2c: {  	s7 =	sld [smem:$0x3FAB]  }
0x2d: {  	s3 =	simm.s32 $0x108;
	s8 =	sld [smem:$0x3FAC]  }
0x2e: {  	s3 =	simm.s32 @!p0 $0x1082;
	s9 =	sld [smem:$0x3FAD]  }
0x2f: {  	lr =	sadd.s32 s0, s3;
	s0 =	sld [smem:$0x3FA4]  }
0x30: {  	s3 =	sld [smem:$0x3FA7]  }
0x31: {  	[smem:$0x3FB0] =	sst s10  }
0x32: {  	s10 =	sld [smem:$0x3FAE];
	_ =	sdelay $0x3  }
0x33: {  	p0 =	seq.s32 s10, $0x1;
	s10 =	sld [smem:$0x3FB0];
	_ =	sdelay $0x3  }
0x34: {  	[smem:$0x3FB0] =	sst s10  }
0x35: {  	s10 =	sld [smem:$0x3FAF];
	_ =	sdelay $0x3  }
0x36: {  	p1 =	seq.s32 s10, $0x1;
	s10 =	sld [smem:$0x3FB0];
	_ =	sdelay $0x3  }
0x37: {  	[smem:$0x3FB0] =	sst s10  }
0x38: {  	s10 =	sld [smem:$0x3FB1]  }
0x39: {  	_ = 	snop;
	(pc) =	sbr.ind lr, $3  }
0x3a: {  	_ = 	snop  }
0x3b: {  	_ = 	snop  }
0x3c: {  	p2 =	seq.s32 s10, $0x1;
	s10 =	sld [smem:$0x3FB0]  }
0x3d: {  	_ =	shalt  }
0x3e: {  	_ =	shalt  }
0x3f: {  	_ =	shalt  }
0x40: {  	_ =	shalt  }
0x41: {  	_ =	shalt  }
0x42: {  	_ =	shalt  }
0x43: {  	_ =	shalt  }
0x44: {  	_ =	shalt  }
0x45: {  	_ =	shalt  }
0x46: {  	_ =	shalt  }
0x47: {  	_ =	shalt  }
0x48: {  	_ =	shalt  }
0x49: {  	_ =	shalt  }
0x4a: {  	_ =	shalt  }
0x4b: {  	_ =	shalt  }
0x4c: {  	_ =	shalt  }
0x4d: {  	_ =	shalt  }
0x4e: {  	_ =	shalt  }
0x4f: {  	_ =	shalt  }
0x50: {  	_ =	shalt  }
0x51: {  	_ =	shalt  }
0x52: {  	_ =	shalt  }
0x53: {  	_ =	shalt  }
0x54: {  	_ =	shalt  }
0x55: {  	_ =	shalt  }
0x56: {  	_ =	shalt  }
0x57: {  	_ =	shalt  }
0x58: {  	_ =	shalt  }
0x59: {  	_ =	shalt  }
0x5a: {  	_ =	shalt  }
0x5b: {  	_ =	shalt  }
0x5c: {  	_ =	shalt  }
0x5d: {  	_ =	shalt  }
0x5e: {  	_ =	shalt  }
0x5f: {  	_ =	shalt  }
0x60: {  	_ =	shalt  }
0x61: {  	_ =	shalt  }
0x62: {  	_ =	shalt  }
0x63: {  	_ =	shalt  }
0x64: {  	_ =	shalt  }
0x65: {  	_ =	shalt  }
0x66: {  	_ =	shalt  }
0x67: {  	_ =	shalt  }
0x68: {  	_ =	shalt  }
0x69: {  	_ =	shalt  }
0x6a: {  	_ =	shalt  }
0x6b: {  	_ =	shalt  }
0x6c: {  	_ =	shalt  }
0x6d: {  	_ =	shalt  }
0x6e: {  	_ =	shalt  }
0x6f: {  	_ =	shalt  }
0x70: {  	_ =	shalt  }
0x71: {  	_ =	shalt  }
0x72: {  	_ =	shalt  }
0x73: {  	_ =	shalt  }
0x74: {  	_ =	shalt  }
0x75: {  	_ =	shalt  }
0x76: {  	_ =	shalt  }
0x77: {  	_ =	shalt  }
0x78: {  	_ =	shalt  }
0x79: {  	_ =	shalt  }
0x7a: {  	_ =	shalt  }
0x7b: {  	_ =	shalt  }
0x7c: {  	_ =	shalt  }
0x7d: {  	_ =	shalt  }
0x7e: {  	_ =	shalt  }
0x7f: {  	_ =	shalt  }
0x80: {  	_ =	shalt  }
0x81: {  	_ =	shalt  }
0x82: {  	_ =	shalt  }
0x83: {  	_ =	shalt  }
0x84: {  	_ =	shalt  }
0x85: {  	_ =	shalt  }
0x86: {  	_ =	shalt  }
0x87: {  	_ =	shalt  }
.Lfunc_end0:
.L_simem_size_0:
called_computation_lowered:
.L_overlay_start_0:
0x88: {  	s2 =	sld [smem:$0x3FD9]  }
0x89: {  	s3 =	sld [smem:$0x3FFE];
	_ =	sdelay $0x1  }
0x8a: {  	s1 =	srdreg.scid  }
0x8b: {  	s0 =	sand.u32 $0x1, s1  }
0x8c: {  	s17 =	sshll.u32 s0, $0xA;
	s2 =	sadd.s32 s3, s2  }
0x8d: {  	s2 =	sadd.s32 s2, s17  }
0x8e: {  	[smem:$0x3FBC] =	sst s2  }
0x8f: {  	_ = 	snop  }
0x90: {  	s2 =	sld [smem:$0x3FD0];
	(tm) =	ssettm $0x1  }
0x91: {  	s18 =	sld [smem:$0x3FFB];
	_ =	sdelay $0x3  }
0x92: {  	_ =	strace s18  }
0x93: {  	s3 =	sld [smem:$0x3FFC];
	_ =	sdelay $0x3  }
0x94: {  	_ =	strace s3  }
0x95: {  	s3 =	sld [smem:$0x3FFD];
	_ =	sdelay $0x3  }
0x96: {  	_ =	strace s3  }
0x97: {  	_ =	strace $0x8FFFFFFF  }
0x98: {  	s19 =	sld [smem:$0x3FDB];
	_ =	sdelay $0x1  }
0x99: {  	s4 =	simm.s32 $_scs_section_size  }
0x9a: {  	s5 =	simm.s32 $_size__tile_overlayer_lowered;
	s6 =	simm.s32 $_tile_overlayer_lowered  }
0x9b: {  	s22 =	simm.s32 $0x1BFF;
	s21 =	sshll.u32 s6, $0x1;
	s3 =	sadd.s32 s4, s19  }
0x9c: {  	s7 =	simm.s32 $0x0;
	s20 =	sshll.u32 s5, $0x1;
	s5 =	sadd.s32 s21, s3  }
0x9d: {  	[timem:s7], [sflag:s22] =	dma.local [hbm:s5], s20  }
0x9e: {  	_ =	swait.ge [sflag:s22], s20  }
0x9f: {  	s4 =	ssub.s32 $0x0, s20;
	[sflag:s22] =	ssyncset.done $0x0  }
0xa0: {  	[sflag:s22] =	ssyncadd.s32 s4;
	_ =	sdelay $0x1  }
0xa1: {  	s23 =	simm.s32 $0x1B8B  }
0xa2: {  	_ =	swait.ge [sflag:s23], $0x1  }
0xa3: {  	[sflag:s23] =	ssyncset.done $0x0  }
0xa4: {  	s25 =	simm.s32 $0x1B8E;
	s24 =	sld [smem:$0x3FFE];
	[sflag:s23] =	ssyncadd.s32 $0xFFFFFFFF  }
0xa5: {  	s26 =	simm.s32 $execute0_lowered;
	[smem:$0x3FD2] =	sst s25  }
0xa6: {  	s5 =	sshll.u32 s26, $0x1;
	_ =	strace $0x80000046;
	[dreg:$0x1] =	wrdreg $0xFFFFFFFF  }
0xa7: {  	s28 =	simm.s32 $_size_execute0_lowered;
	s3 =	sadd.s32 s3, s5;
	[dreg:$0x0] =	wrdreg $0x0  }
0xa8: {  	s5 =	sshll.u32 s28, $0x1;
	[dreg:$0x2] =	wrdreg s3  }
0xa9: {  	[dreg:$0x3] =	wrdreg s5  }
0xaa: {  	[dreg:$0x4] =	wrdreg $0xC0  }
0xab: {  	_ =	task [dreg:s7], $0x5FFFF  }
0xac: {  	[dreg:$0x1] =	wrdreg $0xFFFFFFFF  }
0xad: {  	[dreg:$0x0] =	wrdreg $0x60  }
0xae: {  	[dreg:$0x2] =	wrdreg s24  }
0xaf: {  	[dreg:$0x3] =	wrdreg s2  }
0xb0: {  	[dreg:$0x4] =	wrdreg $0x0  }
0xb1: {  	[dreg:$0x5] =	wrdreg $0x9  }
0xb2: {  	_ =	task.clear_ibuf [dreg:s7], $0x6FFFF;
	_ =	strace $0x90000046  }
0xb3: {  	s29 =	simm.s32 $0x9;
	_ =	strace $0x80000048  }
0xb4: {  	_ =	swait.ge [sflag:s29], $0x1  }
0xb5: {  	[sflag:s29] =	ssyncadd.s32 $0xFFFFFFFF  }
0xb6: {  	_ =	strace $0x90000048  }
0xb7: {  	_ =	sfence  }
0xb8: {  	s30 =	sld [smem:$0x0];
	_ =	sdelay $0x2  }
0xb9: {  	s31 =	sshll.u32 s1, $0xD;
	s1 =	sshrl.u32 s1, $0x2  }
0xba: {  	s3 =	sand.u32 $0x4000, s31;
	s1 =	sadd.s32 s1, s30  }
0xbb: {  	s0 =	sor.u32 s3, s0;
	s1 =	sshll.u32 s1, $0x11  }
0xbc: {  	s0 =	sor.u32 s1, s0  }
0xbd: {  	s0 =	sadd.s32 $0x8F2B, s0  }
0xbe: {  	[sflag:s0] =	ssyncadd.remote.s32 $0x1  }
0xbf: {  	_ =	sfence.sel $0xFFFF  }
0xc0: {  	[dreg:$0x0] =	wrdreg $0xFFFFFFFF;
	(pc) =	sbr.abs _section_cstart, $3  }
0xc1: {  	[dreg:$0x1] =	wrdreg $0xFFFFFFFF  }
0xc2: {  	_ =	task.clear_ibuf [dreg:s7], $0x2FFFF;
	_ =	strace $0x9FFFFFFF  }
0xc3: {  	(tm) =	ssettm $0x7FFFFFFF  }
tec
execute0_lowered:
.L_overlay_start_1:
0x0: {  	(tag) =	ssettag $0x1  }
0x1: {  	s1 =	srdreg.scid;
	s17 =	stileid.u32  }
0x2: {  	s1 =	sand.u32 $0x1, s1;
	s5 =	smul.u32 $0x280, s17  }
0x3: {  	s0 =	rddreg [dreg:$0x0];
	s6 =	smul.u32 $0x2800, s1  }
0x4: {  	s2 =	rddreg [dreg:$0x1]  }
0x5: {  	s3 =	rddreg [dreg:$0x2];
	s4 =	simm.s32 $0x0;
	s5 =	sadd.s32 s6, s5  }
0x6: {  	[smem:$0x7FF] =	sst s4;
	s7 =	sadd.s32 $0x8BE00, s0;
	s5 =	sshll.u32 s5, $0x4  }
0x7: {  	s9 =	sadd.s32 $0xDBE00, s0;
	_ =	strace $0x80000047;
	s25 =	sadd.s32 s7, s5  }
0x8: {  	s26 =	sor.u32 $0x500, s5;
	s29 =	sadd.s32 $0xA00, s5;
	s12 =	sadd.s32 $0xF00, s5  }
0x9: {  	s31 =	sadd.s32 $0x1400, s5;
	s18 =	sadd.s32 $0x1900, s5;
	s15 =	sadd.s32 $0x1E00, s5  }
0xa: {  	s20 =	sadd.s32 $0x2300, s5;
	s5 =	sadd.s32 s9, s5;
	[dreg:$0x4] =	wrdreg s25  }
0xb: {  	s11 =	sadd.s32 s7, s26;
	[dreg:$0xc] =	wrdreg s5  }
0xc: {  	s13 =	sadd.s32 s7, s29;
	[dreg:$0x5] =	wrdreg s11  }
0xd: {  	s30 =	sadd.s32 s7, s12;
	[dreg:$0x6] =	wrdreg s13  }
0xe: {  	s8 =	ssub.s32 $0x2, s1;
	s14 =	sadd.s32 s7, s31;
	[dreg:$0x7] =	wrdreg s30  }
0xf: {  	s1 =	sshll.u32 s1, $0x4;
	s16 =	sadd.s32 s7, s18;
	[dreg:$0x8] =	wrdreg s14  }
0x10: {  	s10 =	sshrl.u32 s8, $0x1;
	s19 =	sadd.s32 s7, s15;
	[dreg:$0x9] =	wrdreg s16  }
0x11: {  	s1 =	sor.u32 s17, s1;
	s7 =	sadd.s32 s7, s20;
	[dreg:$0xa] =	wrdreg s19  }
0x12: {  	s6 =	ssub.s32 s8, s10;
	s21 =	sadd.s32 s9, s26;
	[dreg:$0xb] =	wrdreg s7  }
0x13: {  	s8 =	smul.u32 $0x50000, s17;
	s22 =	sadd.s32 s9, s29;
	[dreg:$0xd] =	wrdreg s21  }
0x14: {  	s10 =	simm.s32 $0x14000;
	s23 =	sadd.s32 s9, s12;
	[dreg:$0xe] =	wrdreg s22  }
0x15: {  	s17 =	simm.s32 $0x0;
	s24 =	sadd.s32 s9, s31;
	[dreg:$0xf] =	wrdreg s23  }
0x16: {  	s25 =	sadd.s32 s9, s18;
	s26 =	sadd.s32 s9, s15;
	[dreg:$0x10] =	wrdreg s24  }
0x17: {  	s29 =	sadd.s32 s9, s20;
	s31 =	smax.u32 s6, $0x1;
	[dreg:$0x11] =	wrdreg s25  }
0x18: {  	s9 =	simm.s32 $0x2;
	s12 =	simm.s32 $0x50;
	[dreg:$0x12] =	wrdreg s26  }
0x19: {  	s15 =	simm.s32 $0x14100;
	[dreg:$0x13] =	wrdreg s29;
	s21 =	sadd.s32 $0xBC00, s0  }
0x1a: {  	s30 =	sshrl.u32 s8, $0x2;
	s22 =	sadd.s32 $0x1E00, s0;
	s23 =	sadd.s32 $0x15A00, s0  }
0x1b: {  	s24 =	sadd.s32 $0x3CC00, s0;
	s0 =	sadd.s32 $0x63E00, s0;
	s26 =	smul.u32 $0x2710, s1  }
0x1c: {  	[dreg:$0x15] =	wrdreg s31;
	s8 =	simm.s32 $0x1B900;
	s11 =	simm.s32 $0x14080  }
0x1d: {  	s13 =	simm.s32 $0x16900;
	s14 =	simm.s32 $0x19100;
	s28 =	sadd.s32 s30, s3  }
0x1e: {  	s16 =	simm.s32 $0x1;
	[dreg:$0x14] =	wrdreg s0;
	s18 =	sadd.s32 $0x2800, s28  }
0x1f: {  	s19 =	sadd.s32 $0x5000, s28;
	s20 =	sadd.s32 $0x7800, s28;
	[dreg:$0x16] =	wrdreg s18  }
0x20: {  	s1 =	sadd.s32 $0xA000, s28;
	s5 =	sadd.s32 $0xC800, s28;
	[dreg:$0x17] =	wrdreg s19  }
0x21: {  	s6 =	sadd.s32 $0xF000, s28;
	s7 =	sadd.s32 $0x11800, s28;
	[dreg:$0x18] =	wrdreg s20  }
.LBB2_1:
0x22: {  	s0 =	rddreg [dreg:$0x14]  }
0x23: {  	[tilespmem:s8], [sflag:$0x2] =	stream.linear.gather [hbm4b:s0+s4], $0x2800, $0x38;
	[tilespmem:$0x1E100] =	vst v63  }
0x24: {  	_ =	swait.ge [sflag:s9], $0x2800  }
0x25: {  	[sflag:s9] =	ssyncset.done $0x0  }
0x26: {  	[sflag:s9] =	ssyncadd.s32 $0xFFFFD800  }
0x27: {  	[spmem:s28] =	stream.linear.scatter [tilespmem:s8], [sflag:$0x2], $0x2800, $0x38;
	[tilespmem:$0x1E100] =	vst v63  }
0x28: {  	_ =	swait.ge [sflag:s9], $0x2800  }
0x29: {  	[sflag:s9] =	ssyncset.done $0x0  }
0x2a: {  	[sflag:s9] =	ssyncadd.s32 $0xFFFFD800  }
0x2b: {  	[spmem:s18] =	stream.linear.scatter [tilespmem:s8], [sflag:$0x2], $0x2800, $0x38;
	[tilespmem:$0x1E100] =	vst v63  }
0x2c: {  	_ =	swait.ge [sflag:s9], $0x2800  }
0x2d: {  	[sflag:s9] =	ssyncset.done $0x0  }
0x2e: {  	[sflag:s9] =	ssyncadd.s32 $0xFFFFD800  }
0x2f: {  	[spmem:s19] =	stream.linear.scatter [tilespmem:s8], [sflag:$0x2], $0x2800, $0x38;
	[tilespmem:$0x1E100] =	vst v63  }
0x30: {  	_ =	swait.ge [sflag:s9], $0x2800  }
0x31: {  	[sflag:s9] =	ssyncset.done $0x0  }
0x32: {  	[sflag:s9] =	ssyncadd.s32 $0xFFFFD800  }
0x33: {  	[spmem:s20] =	stream.linear.scatter [tilespmem:s8], [sflag:$0x2], $0x2800, $0x38;
	[tilespmem:$0x1E100] =	vst v63  }
0x34: {  	_ =	swait.ge [sflag:s9], $0x2800  }
0x35: {  	[sflag:s9] =	ssyncset.done $0x0  }
0x36: {  	[sflag:s9] =	ssyncadd.s32 $0xFFFFD800  }
0x37: {  	[spmem:s1] =	stream.linear.scatter [tilespmem:s8], [sflag:$0x2], $0x2800, $0x38;
	[tilespmem:$0x1E100] =	vst v63  }
0x38: {  	_ =	swait.ge [sflag:s9], $0x2800  }
0x39: {  	[sflag:s9] =	ssyncset.done $0x0  }
0x3a: {  	[sflag:s9] =	ssyncadd.s32 $0xFFFFD800  }
0x3b: {  	[spmem:s5] =	stream.linear.scatter [tilespmem:s8], [sflag:$0x2], $0x2800, $0x38;
	[tilespmem:$0x1E100] =	vst v63  }
0x3c: {  	_ =	swait.ge [sflag:s9], $0x2800  }
0x3d: {  	[sflag:s9] =	ssyncset.done $0x0  }
0x3e: {  	[sflag:s9] =	ssyncadd.s32 $0xFFFFD800  }
0x3f: {  	[spmem:s6] =	stream.linear.scatter [tilespmem:s8], [sflag:$0x2], $0x2800, $0x38;
	[tilespmem:$0x1E100] =	vst v63  }
0x40: {  	_ =	swait.ge [sflag:s9], $0x2800  }
0x41: {  	[sflag:s9] =	ssyncset.done $0x0  }
0x42: {  	[sflag:s9] =	ssyncadd.s32 $0xFFFFD800  }
0x43: {  	[spmem:s7] =	stream.linear.scatter [tilespmem:s8], [sflag:$0x2], $0x2800, $0x38;
	[tilespmem:$0x1E100] =	vst v63  }
0x44: {  	_ =	swait.ge [sflag:s9], $0x2800  }
0x45: {  	[sflag:s9] =	ssyncset.done $0x0  }
0x46: {  	[sflag:s9] =	ssyncadd.s32 $0xFFFFD800  }
0x47: {  	s18 =	simm.s32 $0x0;
	[bflag:$0x0] =	sbarrier.arrive $0xFFFF  }
.LBB2_2:
0x48: {  	s19 =	smul.u32 $0x50, s18;
	_ =	sdelay $0x1  }
0x49: {  	s19 =	sadd.s32 s26, s19  }
0x4a: {  	s19 =	sshrl.u32 s19, $0x3  }
0x4b: {  	s25 =	simm.s32 $0x0;
	s20 =	sadd.s32 s21, s19  }
0x4c: {  	[tilespmem:s10], [sflag:$0x2] =	stream.linear.gather [hbm4b:s20+s25], $0x50, $0x38;
	[tilespmem:$0x1E100] =	vst v63  }
0x4d: {  	_ =	swait.ge [sflag:s9], $0x50  }
0x4e: {  	[sflag:s9] =	ssyncset.done $0x0  }
0x4f: {  	s19 =	sadd.s32 s22, s19;
	[sflag:s9] =	ssyncadd.s32 $0xFFFFFFB0  }
0x50: {  	[tilespmem:s11], [sflag:$0x2] =	stream.linear.gather [hbm4b:s19+s25], $0x50, $0x38;
	[tilespmem:$0x1E100] =	vst v63  }
0x51: {  	_ =	swait.ge [sflag:s9], $0x50  }
0x52: {  	[sflag:s9] =	ssyncset.done $0x0  }
0x53: {  	[sflag:s9] =	ssyncadd.s32 $0xFFFFFFB0  }
0x54: {  	[tilespmem:s13], [sflag:$0x1] =	stream.indirect.gather [hbm4b:s23+s12], $0x80, s10, s12, $0xb8;
	[tilespmem:$0x1E100] =	vst v63  }
0x55: {  	_ = 	snop  }
0x56: {  	[tilespmem:s14], [sflag:$0x1] =	stream.indirect.gather [hbm4b:s24+s12], $0x80, s11, s12, $0xb8;
	[tilespmem:$0x1E100] =	vst v63  }
0x57: {  	_ = 	snop  }
0x58: {  	[tilespmem:s15], [sflag:$0x1] =	stream.indirect.gather [hbm4b:s2+s12], $0x80, s10, s12, $0xb8;
	[tilespmem:$0x1E100] =	vst v63  }
0x59: {  	_ =	swait.ge [sflag:s16], $0x2800  }
0x5a: {  	[sflag:s16] =	ssyncset.done $0x0  }
0x5b: {  	[sflag:s16] =	ssyncadd.s32 $0xFFFFD800  }
0x5c: {  	_ =	swait.ge [sflag:s16], $0x2800  }
0x5d: {  	[sflag:s16] =	ssyncset.done $0x0  }
0x5e: {  	[sflag:s16] =	ssyncadd.s32 $0xFFFFD800  }
0x5f: {  	_ =	swait.ge [sflag:s16], $0x2800  }
0x60: {  	[sflag:s16] =	ssyncset.done $0x0  }
0x61: {  	s29 =	simm.s32 $0x0;
	[sflag:s16] =	ssyncadd.s32 $0xFFFFD800  }
0x62: {  	v0 =	vld [tilespmem:s29+$0x19100]  }
0x63: {  	v1 =	vld [tilespmem:s29+$0x16900];
	_ =	sdelay $0x4  }
0x64: {  	v0 =	vadd.f32 v0, v1;
	_ =	sdelay $0x1  }
0x65: {  	v1 =	vmul.f32 $2.000000030e-01, v0  }
0x66: {  	vm0 =	vge.f32 v0, $0.0e+00  }
0x67: {  	v0 =	vsel vm0, v0, v1  }
0x68: {  	v0 =	vmul.f32 $1.442695020e+00, v0  }
0x69: {  	s25 =	simm.s32 $0x80  }
0x6a: {  	v1 =	vld [tilespmem:s25+$0x16900];
	(erf) = vpow2.f32 v0  }
0x6b: {  	v0 =	vld [tilespmem:s25+$0x19100];
	_ =	sdelay $0x3  }
0x6c: {  	s19 =	simm.s32 $0x100;
	v2 =	vld [tilespmem:s29+$0x14170]  }
0x6d: {  	v3 =	vld [tilespmem:s19+$0x19100];
	v0 =	vadd.f32 v0, v1  }
0x6e: {  	v4 =	vld [tilespmem:s19+$0x16900]  }
0x6f: {  	v5 =	vld [tilespmem:s29+$0x14110];
	v1 =	vmul.f32 $2.000000030e-01, v0  }
0x70: {  	v6 =	vld [tilespmem:s29+$0x14100];
	vm14 =	vge.f32 v0, $0.0e+00;
	v7 =	vpop (erf)  }
0x71: {  	v8 =	vld [tilespmem:s29+$0x14120];
	v0 =	vsel vm14, v0, v1;
	v9 =	vbroadcast v7, $0x7  }
0x72: {  	v10 =	vld [tilespmem:s29+$0x14160];
	v0 =	vmul.f32 $1.442695020e+00, v0  }
0x73: {  	v11 =	vld [tilespmem:s29+$0x14140];
	v1 =	vmul.f32 v2, v9  }
0x74: {  	v12 =	vld [tilespmem:s29+$0x14130];
	v2 =	vbroadcast v7, $0x1;
	(erf) = vpow2.f32 v0  }
0x75: {  	v13 =	vld [tilespmem:s29+$0x14150];
	v9 =	vbroadcast v7, $0x0;
	[tilespmem:s29+$0x14170] =	vst v1  }
0x76: {  	s20 =	simm.s32 $0x180;
	v2 =	vmul.f32 v2, v5;
	v5 =	vbroadcast v7, $0x2;
	v14 =	vld [tilespmem:s25+$0x14170]  }
0x77: {  	v4 =	vadd.f32 v3, v4;
	v6 =	vmul.f32 v9, v6;
	v9 =	vbroadcast v7, $0x6;
	v0 =	vld [tilespmem:s20+$0x19100]  }
0x78: {  	v1 =	vld [tilespmem:s20+$0x16900];
	[tilespmem:s29+$0x14110] =	vst v2;
	v5 =	vmul.f32 v5, v8;
	v8 =	vbroadcast v7, $0x4  }
0x79: {  	v9 =	vmul.f32 v10, v9;
	v2 =	vld [tilespmem:s25+$0x14110];
	[tilespmem:s29+$0x14100] =	vst v6;
	v6 =	vmul.f32 $2.000000030e-01, v4  }
0x7a: {  	vm15 =	vge.f32 v4, $0.0e+00;
	v10 =	vbroadcast v7, $0x5;
	v7 =	vbroadcast v7, $0x3  }
0x7b: {  	v4 =	vsel vm15, v4, v6  }
0x7c: {  	v3 =	vld [tilespmem:s25+$0x14100];
	[tilespmem:s29+$0x14120] =	vst v5;
	v15 =	vmul.f32 v12, v7;
	v4 =	vmul.f32 $1.442695020e+00, v4  }
0x7d: {  	v5 =	vld [tilespmem:s25+$0x14120];
	v6 =	vmul.f32 v11, v8;
	[tilespmem:s29+$0x14160] =	vst v9;
	v11 =	vmul.f32 v13, v10;
	v9 =	vpop (erf)  }
0x7e: {  	(erf) = vpow2.f32 v4;
	v12 =	vbroadcast v9, $0x7  }
0x7f: {  	v7 =	vld [tilespmem:s25+$0x14160];
	[tilespmem:s29+$0x14140] =	vst v6;
	v10 =	vbroadcast v9, $0x1;
	v6 =	vbroadcast v9, $0x4  }
0x80: {  	s30 =	simm.s32 $0x800;
	v8 =	vld [tilespmem:s25+$0x14140];
	v4 =	vbroadcast v9, $0x5;
	[tilespmem:s29+$0x14130] =	vst v15;
	v12 =	vmul.f32 v14, v12  }
.LBB2_3:
0x81: {  	s31 =	sshra.s32 s30, $0x2;
	p0 =	sne.s32 s30, $0x9E00;
	s30 =	sadd.s32 $0x200, s30;
	v13 =	vadd.f32 v0, v1;
	v1 =	vbroadcast v9, $0x0;
	v14 =	vld [tilespmem:s25+$0x14130];
	v15 =	vbroadcast v9, $0x3;
	[tilespmem:s29+$0x14150] =	vst v11  }
0x82: {  	v11 =	vbroadcast v9, $0x2;
	v9 =	vbroadcast v9, $0x6;
	s29 =	smov.u32 s25;
	v16 =	vld [tilespmem:s25+$0x14150];
	[tilespmem:s25+$0x14170] =	vst v12;
	s25 =	smov.u32 s19;
	s19 =	smov.u32 s20  }
0x83: {  	v2 =	vmul.f32 v10, v2;
	s20 =	smov.u32 s31;
	vm0 =	vge.f32 v13, $0.0e+00;
	v12 =	vmul.f32 $2.000000030e-01, v13;
	v17 =	vld [tilespmem:s25+$0x14170]  }
0x84: {  	v3 =	vmul.f32 v1, v3;
	v5 =	vmul.f32 v11, v5;
	v0 =	vld [tilespmem:s20+$0x19100]  }
0x85: {  	v7 =	vmul.f32 v7, v9;
	v1 =	vld [tilespmem:s20+$0x16900];
	v10 =	vsel vm0, v13, v12;
	[tilespmem:s29+$0x14110] =	vst v2  }
.Ltmp0:
0x86: {  	v8 =	vmul.f32 v8, v6;
	v10 =	vmul.f32 $1.442695020e+00, v10;
	v2 =	vld [tilespmem:s25+$0x14110];
	[tilespmem:s29+$0x14100] =	vst v3;
	(pc) =	sbr.rel @p0 .LBB2_3-.Ltmp0, $4  }
0x87: {  	v13 =	vmul.f32 v14, v15;
	v3 =	vld [tilespmem:s25+$0x14100];
	v9 =	vpop (erf);
	[tilespmem:s29+$0x14120] =	vst v5;
	v11 =	vmul.f32 v16, v4  }
0x88: {  	(erf) = vpow2.f32 v10;
	v5 =	vld [tilespmem:s25+$0x14120];
	v12 =	vbroadcast v9, $0x7;
	[tilespmem:s29+$0x14160] =	vst v7  }
0x89: {  	v10 =	vbroadcast v9, $0x1;
	v6 =	vbroadcast v9, $0x4;
	v7 =	vld [tilespmem:s25+$0x14160];
	[tilespmem:s29+$0x14140] =	vst v8  }
0x8a: {  	v4 =	vbroadcast v9, $0x5;
	v8 =	vld [tilespmem:s25+$0x14140];
	v12 =	vmul.f32 v17, v12;
	[tilespmem:s29+$0x14130] =	vst v13  }
0x8b: {  	v0 =	vadd.f32 v0, v1;
	_ =	sdelay $0x1  }
0x8c: {  	v40 =	vmul.f32 $2.000000030e-01, v0  }
0x8d: {  	v14 =	vbroadcast v9, $0x0;
	v2 =	vmul.f32 v10, v2;
	vm0 =	vge.f32 v0, $0.0e+00  }
0x8e: {  	v13 =	vld [tilespmem:s25+$0x14130];
	[tilespmem:s29+$0x14150] =	vst v11;
	v35 =	vbroadcast v9, $0x2;
	v36 =	vbroadcast v9, $0x6;
	v0 =	vsel vm0, v0, v40  }
0x8f: {  	v11 =	vld [tilespmem:s25+$0x14150];
	[tilespmem:s25+$0x14170] =	vst v12;
	v3 =	vmul.f32 v14, v3;
	v0 =	vmul.f32 $1.442695020e+00, v0  }
0x90: {  	v37 =	vbroadcast v9, $0x3;
	v34 =	vld [tilespmem:s19+$0x14170];
	[tilespmem:s25+$0x14110] =	vst v2;
	v5 =	vmul.f32 v35, v5  }
0x91: {  	v2 =	vld [tilespmem:s19+$0x14110];
	v7 =	vmul.f32 v7, v36;
	[tilespmem:s25+$0x14100] =	vst v3;
	v41 =	vpop (erf);
	(erf) = vpow2.f32 v0  }
0x92: {  	v6 =	vmul.f32 v8, v6;
	v3 =	vld [tilespmem:s19+$0x14100];
	[tilespmem:s25+$0x14120] =	vst v5  }
0x93: {  	v39 =	vmul.f32 v13, v37;
	v5 =	vld [tilespmem:s19+$0x14120];
	[tilespmem:s25+$0x14160] =	vst v7;
	v43 =	vbroadcast v41, $0x7  }
0x94: {  	v4 =	vmul.f32 v11, v4;
	v38 =	vld [tilespmem:s19+$0x14160];
	[tilespmem:s25+$0x14140] =	vst v6;
	v44 =	vbroadcast v41, $0x1  }
0x95: {  	v45 =	vbroadcast v41, $0x0;
	v42 =	vld [tilespmem:s19+$0x14140];
	[tilespmem:s25+$0x14130] =	vst v39;
	v10 =	vmul.f32 v34, v43  }
0x96: {  	v47 =	vbroadcast v41, $0x2;
	v7 =	vld [tilespmem:s19+$0x14130];
	[tilespmem:s25+$0x14150] =	vst v4;
	v2 =	vmul.f32 v44, v2  }
0x97: {  	v48 =	vbroadcast v41, $0x6;
	v4 =	vld [tilespmem:s19+$0x14150];
	v3 =	vmul.f32 v45, v3;
	[tilespmem:s19+$0x14170] =	vst v10  }
0x98: {  	v49 =	vbroadcast v41, $0x4;
	v5 =	vmul.f32 v47, v5;
	v46 =	vld [tilespmem:s20+$0x14170];
	[tilespmem:s19+$0x14110] =	vst v2  }
0x99: {  	v50 =	vbroadcast v41, $0x3;
	v1 =	vmul.f32 v38, v48;
	v2 =	vld [tilespmem:s20+$0x14110];
	[tilespmem:s19+$0x14100] =	vst v3  }
0x9a: {  	v8 =	vbroadcast v41, $0x5;
	v6 =	vmul.f32 v42, v49;
	v3 =	vld [tilespmem:s20+$0x14100];
	[tilespmem:s19+$0x14120] =	vst v5;
	v51 =	vpop (erf)  }
0x9b: {  	v7 =	vmul.f32 v7, v50;
	v5 =	vld [tilespmem:s20+$0x14120];
	[tilespmem:s19+$0x14160] =	vst v1;
	v53 =	vbroadcast v51, $0x7  }
0x9c: {  	v4 =	vmul.f32 v4, v8;
	v1 =	vld [tilespmem:s20+$0x14160];
	[tilespmem:s19+$0x14140] =	vst v6;
	v54 =	vbroadcast v51, $0x1  }
0x9d: {  	v52 =	vld [tilespmem:s20+$0x14140];
	[tilespmem:s19+$0x14130] =	vst v7;
	v56 =	vbroadcast v51, $0x0;
	v0 =	vmul.f32 v46, v53  }
0x9e: {  	v57 =	vbroadcast v51, $0x2;
	v55 =	vld [tilespmem:s20+$0x14130];
	[tilespmem:s19+$0x14150] =	vst v4;
	v2 =	vmul.f32 v54, v2  }
0x9f: {  	v59 =	vbroadcast v51, $0x6;
	v58 =	vld [tilespmem:s20+$0x14150];
	v60 =	vmul.f32 v56, v3;
	[tilespmem:s20+$0x14170] =	vst v0  }
0xa0: {  	v61 =	vbroadcast v51, $0x4;
	v4 =	vmul.f32 v57, v5;
	[tilespmem:s20+$0x14110] =	vst v2  }
0xa1: {  	v62 =	vbroadcast v51, $0x3;
	v1 =	vmul.f32 v1, v59;
	[tilespmem:s20+$0x14100] =	vst v60  }
0xa2: {  	v63 =	vbroadcast v51, $0x5;
	v3 =	vmul.f32 v52, v61;
	[tilespmem:s20+$0x14120] =	vst v4  }
0xa3: {  	v2 =	vmul.f32 v55, v62;
	[tilespmem:s20+$0x14160] =	vst v1  }
0xa4: {  	s18 =	sadd.s32 $0x1, s18;
	v0 =	vmul.f32 v58, v63;
	[tilespmem:s20+$0x14140] =	vst v3  }
0xa5: {  	p0 =	sne.s32 s18, $0x7D;
	[tilespmem:s20+$0x14130] =	vst v2  }
.Ltmp1:
0xa6: {  	[tilespmem:s20+$0x14150] =	vst v0;
	(pc) =	sbr.rel @p0 .LBB2_2-.Ltmp1, $4  }
0xa7: {  	[spmem:s3] =	stream.indirect.scatter.add.f32 [tilespmem:s15], [sflag:$0x2], $0x80, s11, s12, $0xb8;
	[tilespmem:$0x1E100] =	vst v63  }
0xa8: {  	_ =	swait.ge [sflag:s9], $0x2800  }
0xa9: {  	[sflag:s9] =	ssyncset.done $0x0  }
0xaa: {  	[sflag:s9] =	ssyncadd.s32 $0xFFFFD800  }
0xab: {  	[bflag:$0x0] =	sbarrier.arrive $0xFFFF  }
0xac: {  	[tilespmem:s15], [sflag:$0x2] =	stream.linear.gather [spmem:s28], $0x2800, $0x38;
	[tilespmem:$0x1E100] =	vst v63  }
0xad: {  	_ =	swait.ge [sflag:s9], $0x2800  }
0xae: {  	[sflag:s9] =	ssyncset.done $0x0  }
0xaf: {  	s18 =	simm.s32 $0x0;
	s0 =	rddreg [dreg:$0x4];
	[sflag:s9] =	ssyncadd.s32 $0xFFFFD800  }
0xb0: {  	[hbm4b:s0+s18] =	stream.linear.scatter [tilespmem:s15], [sflag:$0x2], $0x2800, $0x38;
	[tilespmem:$0x1E100] =	vst v63  }
0xb1: {  	_ =	swait.ge [sflag:s9], $0x2800  }
0xb2: {  	[sflag:s9] =	ssyncset.done $0x0  }
0xb3: {  	s19 =	rddreg [dreg:$0x16];
	[sflag:s9] =	ssyncadd.s32 $0xFFFFD800  }
0xb4: {  	[tilespmem:s15], [sflag:$0x2] =	stream.linear.gather [spmem:s19], $0x2800, $0x38;
	[tilespmem:$0x1E100] =	vst v63  }
0xb5: {  	_ =	swait.ge [sflag:s9], $0x2800  }
0xb6: {  	[sflag:s9] =	ssyncset.done $0x0  }
0xb7: {  	s25 =	rddreg [dreg:$0x5];
	[sflag:s9] =	ssyncadd.s32 $0xFFFFD800  }
0xb8: {  	[hbm4b:s25+s18] =	stream.linear.scatter [tilespmem:s15], [sflag:$0x2], $0x2800, $0x38;
	[tilespmem:$0x1E100] =	vst v63  }
0xb9: {  	_ =	swait.ge [sflag:s9], $0x2800  }
0xba: {  	[sflag:s9] =	ssyncset.done $0x0  }
0xbb: {  	s20 =	rddreg [dreg:$0x17];
	[sflag:s9] =	ssyncadd.s32 $0xFFFFD800  }
0xbc: {  	[tilespmem:s15], [sflag:$0x2] =	stream.linear.gather [spmem:s20], $0x2800, $0x38;
	[tilespmem:$0x1E100] =	vst v63  }
0xbd: {  	_ =	swait.ge [sflag:s9], $0x2800  }
0xbe: {  	[sflag:s9] =	ssyncset.done $0x0  }
0xbf: {  	s29 =	rddreg [dreg:$0x6];
	[sflag:s9] =	ssyncadd.s32 $0xFFFFD800  }
0xc0: {  	[hbm4b:s29+s18] =	stream.linear.scatter [tilespmem:s15], [sflag:$0x2], $0x2800, $0x38;
	[tilespmem:$0x1E100] =	vst v63  }
0xc1: {  	_ =	swait.ge [sflag:s9], $0x2800  }
0xc2: {  	[sflag:s9] =	ssyncset.done $0x0  }
0xc3: {  	s25 =	rddreg [dreg:$0x18];
	[sflag:s9] =	ssyncadd.s32 $0xFFFFD800  }
0xc4: {  	[tilespmem:s15], [sflag:$0x2] =	stream.linear.gather [spmem:s25], $0x2800, $0x38;
	[tilespmem:$0x1E100] =	vst v63  }
0xc5: {  	_ =	swait.ge [sflag:s9], $0x2800  }
0xc6: {  	[sflag:s9] =	ssyncset.done $0x0  }
0xc7: {  	s30 =	rddreg [dreg:$0x7];
	[sflag:s9] =	ssyncadd.s32 $0xFFFFD800  }
0xc8: {  	[hbm4b:s30+s18] =	stream.linear.scatter [tilespmem:s15], [sflag:$0x2], $0x2800, $0x38;
	[tilespmem:$0x1E100] =	vst v63  }
0xc9: {  	_ =	swait.ge [sflag:s9], $0x2800  }
0xca: {  	[sflag:s9] =	ssyncset.done $0x0  }
0xcb: {  	[sflag:s9] =	ssyncadd.s32 $0xFFFFD800  }
0xcc: {  	[tilespmem:s15], [sflag:$0x2] =	stream.linear.gather [spmem:s1], $0x2800, $0x38;
	[tilespmem:$0x1E100] =	vst v63  }
0xcd: {  	_ =	swait.ge [sflag:s9], $0x2800  }
0xce: {  	[sflag:s9] =	ssyncset.done $0x0  }
0xcf: {  	s31 =	rddreg [dreg:$0x8];
	[sflag:s9] =	ssyncadd.s32 $0xFFFFD800  }
0xd0: {  	[hbm4b:s31+s18] =	stream.linear.scatter [tilespmem:s15], [sflag:$0x2], $0x2800, $0x38;
	[tilespmem:$0x1E100] =	vst v63  }
0xd1: {  	_ =	swait.ge [sflag:s9], $0x2800  }
0xd2: {  	[sflag:s9] =	ssyncset.done $0x0  }
0xd3: {  	[sflag:s9] =	ssyncadd.s32 $0xFFFFD800  }
0xd4: {  	[tilespmem:s15], [sflag:$0x2] =	stream.linear.gather [spmem:s5], $0x2800, $0x38;
	[tilespmem:$0x1E100] =	vst v63  }
0xd5: {  	_ =	swait.ge [sflag:s9], $0x2800  }
0xd6: {  	[sflag:s9] =	ssyncset.done $0x0  }
0xd7: {  	s29 =	rddreg [dreg:$0x9];
	[sflag:s9] =	ssyncadd.s32 $0xFFFFD800  }
0xd8: {  	[hbm4b:s29+s18] =	stream.linear.scatter [tilespmem:s15], [sflag:$0x2], $0x2800, $0x38;
	[tilespmem:$0x1E100] =	vst v63  }
0xd9: {  	_ =	swait.ge [sflag:s9], $0x2800  }
0xda: {  	[sflag:s9] =	ssyncset.done $0x0  }
0xdb: {  	[sflag:s9] =	ssyncadd.s32 $0xFFFFD800  }
0xdc: {  	[tilespmem:s15], [sflag:$0x2] =	stream.linear.gather [spmem:s6], $0x2800, $0x38;
	[tilespmem:$0x1E100] =	vst v63  }
0xdd: {  	_ =	swait.ge [sflag:s9], $0x2800  }
0xde: {  	[sflag:s9] =	ssyncset.done $0x0  }
0xdf: {  	s30 =	rddreg [dreg:$0xa];
	[sflag:s9] =	ssyncadd.s32 $0xFFFFD800  }
0xe0: {  	[hbm4b:s30+s18] =	stream.linear.scatter [tilespmem:s15], [sflag:$0x2], $0x2800, $0x38;
	[tilespmem:$0x1E100] =	vst v63  }
0xe1: {  	_ =	swait.ge [sflag:s9], $0x2800  }
0xe2: {  	[sflag:s9] =	ssyncset.done $0x0  }
0xe3: {  	[sflag:s9] =	ssyncadd.s32 $0xFFFFD800  }
0xe4: {  	[tilespmem:s15], [sflag:$0x2] =	stream.linear.gather [spmem:s7], $0x2800, $0x38;
	[tilespmem:$0x1E100] =	vst v63  }
0xe5: {  	_ =	swait.ge [sflag:s9], $0x2800  }
0xe6: {  	[sflag:s9] =	ssyncset.done $0x0  }
0xe7: {  	s31 =	rddreg [dreg:$0xb];
	[sflag:s9] =	ssyncadd.s32 $0xFFFFD800  }
0xe8: {  	[hbm4b:s31+s18] =	stream.linear.scatter [tilespmem:s15], [sflag:$0x2], $0x2800, $0x38;
	[tilespmem:$0x1E100] =	vst v63  }
0xe9: {  	_ =	swait.ge [sflag:s9], $0x2800  }
0xea: {  	[sflag:s9] =	ssyncset.done $0x0  }
0xeb: {  	[sflag:s9] =	ssyncadd.s32 $0xFFFFD800  }
0xec: {  	[bflag:$0x0] =	sbarrier.arrive $0xFFFF  }
0xed: {  	[spmem:s28] =	stream.linear.scatter [tilespmem:s8], [sflag:$0x2], $0x2800, $0x38;
	[tilespmem:$0x1E100] =	vst v63  }
0xee: {  	_ =	swait.ge [sflag:s9], $0x2800  }
0xef: {  	[sflag:s9] =	ssyncset.done $0x0  }
0xf0: {  	[sflag:s9] =	ssyncadd.s32 $0xFFFFD800  }
0xf1: {  	[spmem:s19] =	stream.linear.scatter [tilespmem:s8], [sflag:$0x2], $0x2800, $0x38;
	[tilespmem:$0x1E100] =	vst v63  }
0xf2: {  	_ =	swait.ge [sflag:s9], $0x2800  }
0xf3: {  	[sflag:s9] =	ssyncset.done $0x0  }
0xf4: {  	[sflag:s9] =	ssyncadd.s32 $0xFFFFD800  }
0xf5: {  	[spmem:s20] =	stream.linear.scatter [tilespmem:s8], [sflag:$0x2], $0x2800, $0x38;
	[tilespmem:$0x1E100] =	vst v63  }
0xf6: {  	_ =	swait.ge [sflag:s9], $0x2800  }
0xf7: {  	[sflag:s9] =	ssyncset.done $0x0  }
0xf8: {  	[sflag:s9] =	ssyncadd.s32 $0xFFFFD800  }
0xf9: {  	[spmem:s25] =	stream.linear.scatter [tilespmem:s8], [sflag:$0x2], $0x2800, $0x38;
	[tilespmem:$0x1E100] =	vst v63  }
0xfa: {  	_ =	swait.ge [sflag:s9], $0x2800  }
0xfb: {  	[sflag:s9] =	ssyncset.done $0x0  }
0xfc: {  	[sflag:s9] =	ssyncadd.s32 $0xFFFFD800  }
0xfd: {  	[spmem:s1] =	stream.linear.scatter [tilespmem:s8], [sflag:$0x2], $0x2800, $0x38;
	[tilespmem:$0x1E100] =	vst v63  }
0xfe: {  	_ =	swait.ge [sflag:s9], $0x2800  }
0xff: {  	[sflag:s9] =	ssyncset.done $0x0  }
0x100: {  	[sflag:s9] =	ssyncadd.s32 $0xFFFFD800  }
0x101: {  	[spmem:s5] =	stream.linear.scatter [tilespmem:s8], [sflag:$0x2], $0x2800, $0x38;
	[tilespmem:$0x1E100] =	vst v63  }
0x102: {  	_ =	swait.ge [sflag:s9], $0x2800  }
0x103: {  	[sflag:s9] =	ssyncset.done $0x0  }
0x104: {  	[sflag:s9] =	ssyncadd.s32 $0xFFFFD800  }
0x105: {  	[spmem:s6] =	stream.linear.scatter [tilespmem:s8], [sflag:$0x2], $0x2800, $0x38;
	[tilespmem:$0x1E100] =	vst v63  }
0x106: {  	_ =	swait.ge [sflag:s9], $0x2800  }
0x107: {  	[sflag:s9] =	ssyncset.done $0x0  }
0x108: {  	[sflag:s9] =	ssyncadd.s32 $0xFFFFD800  }
0x109: {  	[spmem:s7] =	stream.linear.scatter [tilespmem:s8], [sflag:$0x2], $0x2800, $0x38;
	[tilespmem:$0x1E100] =	vst v63  }
0x10a: {  	_ =	swait.ge [sflag:s9], $0x2800  }
0x10b: {  	[sflag:s9] =	ssyncset.done $0x0  }
0x10c: {  	[sflag:s9] =	ssyncadd.s32 $0xFFFFD800  }
0x10d: {  	s19 =	simm.s32 $0x0;
	[bflag:$0x0] =	sbarrier.arrive $0xFFFF  }
.LBB2_6:
0x10e: {  	s20 =	smul.u32 $0x50, s19;
	_ =	sdelay $0x1  }
0x10f: {  	s20 =	sadd.s32 s26, s20  }
0x110: {  	s20 =	sshrl.u32 s20, $0x3  }
0x111: {  	s25 =	sadd.s32 s21, s20  }
0x112: {  	[tilespmem:s10], [sflag:$0x2] =	stream.linear.gather [hbm4b:s25+s18], $0x50, $0x38;
	[tilespmem:$0x1E100] =	vst v63  }
0x113: {  	_ =	swait.ge [sflag:s9], $0x50  }
0x114: {  	[sflag:s9] =	ssyncset.done $0x0  }
0x115: {  	s20 =	sadd.s32 s22, s20;
	[sflag:s9] =	ssyncadd.s32 $0xFFFFFFB0  }
0x116: {  	[tilespmem:s11], [sflag:$0x2] =	stream.linear.gather [hbm4b:s20+s18], $0x50, $0x38;
	[tilespmem:$0x1E100] =	vst v63  }
0x117: {  	_ =	swait.ge [sflag:s9], $0x50  }
0x118: {  	[sflag:s9] =	ssyncset.done $0x0  }
0x119: {  	[sflag:s9] =	ssyncadd.s32 $0xFFFFFFB0  }
0x11a: {  	[tilespmem:s13], [sflag:$0x1] =	stream.indirect.gather [hbm4b:s23+s12], $0x80, s10, s12, $0xb8;
	[tilespmem:$0x1E100] =	vst v63  }
0x11b: {  	_ = 	snop  }
0x11c: {  	[tilespmem:s14], [sflag:$0x1] =	stream.indirect.gather [hbm4b:s24+s12], $0x80, s11, s12, $0xb8;
	[tilespmem:$0x1E100] =	vst v63  }
0x11d: {  	_ =	swait.ge [sflag:s16], $0x2800  }
0x11e: {  	[sflag:s16] =	ssyncset.done $0x0  }
0x11f: {  	[sflag:s16] =	ssyncadd.s32 $0xFFFFD800  }
0x120: {  	_ =	swait.ge [sflag:s16], $0x2800  }
0x121: {  	[sflag:s16] =	ssyncset.done $0x0  }
0x122: {  	s30 =	simm.s32 $0x0;
	[sflag:s16] =	ssyncadd.s32 $0xFFFFD800  }
0x123: {  	v0 =	vld [tilespmem:s30+$0x16900]  }
0x124: {  	v1 =	vld [tilespmem:s30+$0x19100];
	_ =	sdelay $0x4  }
0x125: {  	s25 =	simm.s32 $0x80;
	v0 =	vadd.f32 v1, v0  }
0x126: {  	v2 =	vld [tilespmem:s25+$0x16900]  }
0x127: {  	v3 =	vld [tilespmem:s25+$0x19100];
	v1 =	vmul.f32 $2.000000030e-01, v0  }
0x128: {  	vm0 =	vge.f32 v0, $0.0e+00  }
0x129: {  	v0 =	vsel vm0, v0, v1  }
0x12a: {  	v0 =	vmul.f32 $1.442695020e+00, v0;
	_ =	sdelay $0x1  }
0x12b: {  	(erf) = vpow2.f32 v0;
	v0 =	vadd.f32 v3, v2  }
0x12c: {  	s20 =	simm.s32 $0x100  }
0x12d: {  	v1 =	vld [tilespmem:s20+$0x16900];
	v2 =	vmul.f32 $2.000000030e-01, v0  }
0x12e: {  	v3 =	vld [tilespmem:s20+$0x19100];
	vm15 =	vge.f32 v0, $0.0e+00  }
0x12f: {  	v0 =	vsel vm15, v0, v2  }
0x130: {  	v0 =	vmul.f32 $1.442695020e+00, v0;
	_ =	sdelay $0x2  }
0x131: {  	v2 =	vadd.f32 v3, v1;
	(erf) = vpow2.f32 v0  }
0x132: {  	v0 =	vpop (erf)  }
0x133: {  	s29 =	simm.s32 $0x180;
	v6 =	vmul.f32 $2.000000030e-01, v2;
	v5 =	vbroadcast v0, $0x7  }
0x134: {  	s31 =	simm.s32 $0x800;
	v1 =	vld [tilespmem:s29+$0x16900];
	v3 =	vbroadcast v0, $0x0;
	v4 =	vbroadcast v0, $0x1  }
.LBB2_7:
0x135: {  	p0 =	sne.s32 s31, $0x9E00;
	v7 =	vld [tilespmem:s29+$0x19100];
	vm0 =	vge.f32 v2, $0.0e+00;
	v8 =	vbroadcast v0, $0x2;
	v9 =	vbroadcast v0, $0x3;
	[tilespmem:s30+$0x1B970] =	vst v5;
	s0 =	smov.u32 s20;
	s20 =	smov.u32 s29  }
0x136: {  	v2 =	vsel vm0, v2, v6;
	[tilespmem:s30+$0x1B900] =	vst v3;
	v3 =	vbroadcast v0, $0x4;
	v6 =	vbroadcast v0, $0x5  }
0x137: {  	v10 =	vbroadcast v0, $0x6;
	v2 =	vmul.f32 $1.442695020e+00, v2;
	[tilespmem:s30+$0x1B910] =	vst v4  }
.Ltmp2:
0x138: {  	[tilespmem:s30+$0x1B920] =	vst v8;
	(pc) =	sbr.rel @p0 .LBB2_7-.Ltmp2, $4  }
0x139: {  	(erf) = vpow2.f32 v2;
	[tilespmem:s30+$0x1B930] =	vst v9  }
0x13a: {  	v2 =	vadd.f32 v7, v1;
	v0 =	vpop (erf);
	[tilespmem:s30+$0x1B940] =	vst v3  }
0x13b: {  	s29 =	sshra.s32 s31, $0x2;
	v3 =	vbroadcast v0, $0x0;
	v5 =	vbroadcast v0, $0x7;
	[tilespmem:s30+$0x1B950] =	vst v6  }
0x13c: {  	s31 =	sadd.s32 $0x200, s31;
	v4 =	vbroadcast v0, $0x1;
	v1 =	vld [tilespmem:s29+$0x16900];
	v6 =	vmul.f32 $2.000000030e-01, v2;
	[tilespmem:s30+$0x1B960] =	vst v10;
	s30 =	smov.u32 s25;
	s25 =	smov.u32 s0  }
0x13d: {  	v7 =	vld [tilespmem:s29+$0x19100];
	vm0 =	vge.f32 v2, $0.0e+00;
	[tilespmem:s30+$0x1B970] =	vst v5  }
0x13e: {  	v32 =	vbroadcast v0, $0x2;
	[tilespmem:s30+$0x1B900] =	vst v3;
	v2 =	vsel vm0, v2, v6  }
0x13f: {  	v33 =	vbroadcast v0, $0x3;
	[tilespmem:s30+$0x1B910] =	vst v4;
	v2 =	vmul.f32 $1.442695020e+00, v2  }
0x140: {  	v34 =	vbroadcast v0, $0x4;
	[tilespmem:s30+$0x1B920] =	vst v32  }
0x141: {  	v35 =	vbroadcast v0, $0x5;
	[tilespmem:s30+$0x1B930] =	vst v33;
	(erf) = vpow2.f32 v2  }
0x142: {  	v36 =	vbroadcast v0, $0x6;
	[tilespmem:s30+$0x1B940] =	vst v34;
	v1 =	vadd.f32 v7, v1;
	v37 =	vpop (erf)  }
0x143: {  	[tilespmem:s30+$0x1B950] =	vst v35;
	v38 =	vbroadcast v37, $0x7  }
0x144: {  	[tilespmem:s30+$0x1B960] =	vst v36;
	v39 =	vbroadcast v37, $0x0;
	v40 =	vmul.f32 $2.000000030e-01, v1  }
0x145: {  	v41 =	vbroadcast v37, $0x1;
	vm15 =	vge.f32 v1, $0.0e+00;
	[tilespmem:s25+$0x1B970] =	vst v38  }
0x146: {  	v42 =	vbroadcast v37, $0x2;
	[tilespmem:s25+$0x1B900] =	vst v39;
	v1 =	vsel vm15, v1, v40  }
0x147: {  	v43 =	vbroadcast v37, $0x3;
	[tilespmem:s25+$0x1B910] =	vst v41;
	v1 =	vmul.f32 $1.442695020e+00, v1  }
0x148: {  	v44 =	vbroadcast v37, $0x4;
	[tilespmem:s25+$0x1B920] =	vst v42  }
0x149: {  	v45 =	vbroadcast v37, $0x5;
	[tilespmem:s25+$0x1B930] =	vst v43;
	(erf) = vpow2.f32 v1  }
0x14a: {  	v46 =	vbroadcast v37, $0x6;
	[tilespmem:s25+$0x1B940] =	vst v44;
	v47 =	vpop (erf)  }
0x14b: {  	[tilespmem:s25+$0x1B950] =	vst v45;
	v48 =	vbroadcast v47, $0x7  }
0x14c: {  	[tilespmem:s25+$0x1B960] =	vst v46;
	v49 =	vbroadcast v47, $0x0  }
0x14d: {  	v50 =	vbroadcast v47, $0x1;
	[tilespmem:s20+$0x1B970] =	vst v48  }
0x14e: {  	v51 =	vbroadcast v47, $0x2;
	[tilespmem:s20+$0x1B900] =	vst v49  }
0x14f: {  	v52 =	vbroadcast v47, $0x3;
	[tilespmem:s20+$0x1B910] =	vst v50  }
0x150: {  	v53 =	vbroadcast v47, $0x4;
	[tilespmem:s20+$0x1B920] =	vst v51  }
0x151: {  	v54 =	vbroadcast v47, $0x5;
	[tilespmem:s20+$0x1B930] =	vst v52  }
0x152: {  	v2 =	vbroadcast v47, $0x6;
	[tilespmem:s20+$0x1B940] =	vst v53;
	v55 =	vpop (erf)  }
0x153: {  	[tilespmem:s20+$0x1B950] =	vst v54;
	v56 =	vbroadcast v55, $0x7  }
0x154: {  	[tilespmem:s20+$0x1B960] =	vst v2;
	v57 =	vbroadcast v55, $0x0  }
0x155: {  	v58 =	vbroadcast v55, $0x1;
	[tilespmem:s29+$0x1B970] =	vst v56  }
0x156: {  	v59 =	vbroadcast v55, $0x2;
	[tilespmem:s29+$0x1B900] =	vst v57  }
0x157: {  	v60 =	vbroadcast v55, $0x3;
	[tilespmem:s29+$0x1B910] =	vst v58  }
0x158: {  	v61 =	vbroadcast v55, $0x4;
	[tilespmem:s29+$0x1B920] =	vst v59  }
0x159: {  	v62 =	vbroadcast v55, $0x5;
	[tilespmem:s29+$0x1B930] =	vst v60  }
0x15a: {  	s19 =	sadd.s32 $0x1, s19;
	v63 =	vbroadcast v55, $0x6;
	[tilespmem:s29+$0x1B940] =	vst v61  }
0x15b: {  	p0 =	sne.s32 s19, $0x7D;
	[tilespmem:s29+$0x1B950] =	vst v62  }
.Ltmp3:
0x15c: {  	[tilespmem:s29+$0x1B960] =	vst v63;
	(pc) =	sbr.rel @p0 .LBB2_6-.Ltmp3, $4  }
0x15d: {  	[spmem:s3] =	stream.indirect.scatter.add.f32 [tilespmem:s8], [sflag:$0x2], $0x80, s11, s12, $0xb8;
	[tilespmem:$0x1E100] =	vst v63  }
0x15e: {  	_ =	swait.ge [sflag:s9], $0x2800  }
0x15f: {  	[sflag:s9] =	ssyncset.done $0x0  }
0x160: {  	[sflag:s9] =	ssyncadd.s32 $0xFFFFD800  }
0x161: {  	[bflag:$0x0] =	sbarrier.arrive $0xFFFF  }
0x162: {  	[tilespmem:s15], [sflag:$0x2] =	stream.linear.gather [spmem:s28], $0x2800, $0x38;
	[tilespmem:$0x1E100] =	vst v63  }
0x163: {  	_ =	swait.ge [sflag:s9], $0x2800  }
0x164: {  	[sflag:s9] =	ssyncset.done $0x0  }
0x165: {  	s0 =	rddreg [dreg:$0xc];
	[sflag:s9] =	ssyncadd.s32 $0xFFFFD800  }
0x166: {  	[hbm4b:s0+s4] =	stream.linear.scatter [tilespmem:s15], [sflag:$0x2], $0x2800, $0x38;
	[tilespmem:$0x1E100] =	vst v63  }
0x167: {  	_ =	swait.ge [sflag:s9], $0x2800  }
0x168: {  	[sflag:s9] =	ssyncset.done $0x0  }
0x169: {  	s18 =	rddreg [dreg:$0x16];
	[sflag:s9] =	ssyncadd.s32 $0xFFFFD800  }
0x16a: {  	[tilespmem:s15], [sflag:$0x2] =	stream.linear.gather [spmem:s18], $0x2800, $0x38;
	[tilespmem:$0x1E100] =	vst v63  }
0x16b: {  	_ =	swait.ge [sflag:s9], $0x2800  }
0x16c: {  	[sflag:s9] =	ssyncset.done $0x0  }
0x16d: {  	s25 =	rddreg [dreg:$0xd];
	[sflag:s9] =	ssyncadd.s32 $0xFFFFD800  }
0x16e: {  	[hbm4b:s25+s4] =	stream.linear.scatter [tilespmem:s15], [sflag:$0x2], $0x2800, $0x38;
	[tilespmem:$0x1E100] =	vst v63  }
0x16f: {  	_ =	swait.ge [sflag:s9], $0x2800  }
0x170: {  	[sflag:s9] =	ssyncset.done $0x0  }
0x171: {  	s19 =	rddreg [dreg:$0x17];
	[sflag:s9] =	ssyncadd.s32 $0xFFFFD800  }
0x172: {  	[tilespmem:s15], [sflag:$0x2] =	stream.linear.gather [spmem:s19], $0x2800, $0x38;
	[tilespmem:$0x1E100] =	vst v63  }
0x173: {  	_ =	swait.ge [sflag:s9], $0x2800  }
0x174: {  	[sflag:s9] =	ssyncset.done $0x0  }
0x175: {  	s29 =	rddreg [dreg:$0xe];
	[sflag:s9] =	ssyncadd.s32 $0xFFFFD800  }
0x176: {  	[hbm4b:s29+s4] =	stream.linear.scatter [tilespmem:s15], [sflag:$0x2], $0x2800, $0x38;
	[tilespmem:$0x1E100] =	vst v63  }
0x177: {  	_ =	swait.ge [sflag:s9], $0x2800  }
0x178: {  	[sflag:s9] =	ssyncset.done $0x0  }
0x179: {  	s20 =	rddreg [dreg:$0x18];
	[sflag:s9] =	ssyncadd.s32 $0xFFFFD800  }
0x17a: {  	[tilespmem:s15], [sflag:$0x2] =	stream.linear.gather [spmem:s20], $0x2800, $0x38;
	[tilespmem:$0x1E100] =	vst v63  }
0x17b: {  	_ =	swait.ge [sflag:s9], $0x2800  }
0x17c: {  	[sflag:s9] =	ssyncset.done $0x0  }
0x17d: {  	s30 =	rddreg [dreg:$0xf];
	[sflag:s9] =	ssyncadd.s32 $0xFFFFD800  }
0x17e: {  	[hbm4b:s30+s4] =	stream.linear.scatter [tilespmem:s15], [sflag:$0x2], $0x2800, $0x38;
	[tilespmem:$0x1E100] =	vst v63  }
0x17f: {  	_ =	swait.ge [sflag:s9], $0x2800  }
0x180: {  	[sflag:s9] =	ssyncset.done $0x0  }
0x181: {  	[sflag:s9] =	ssyncadd.s32 $0xFFFFD800  }
0x182: {  	[tilespmem:s15], [sflag:$0x2] =	stream.linear.gather [spmem:s1], $0x2800, $0x38;
	[tilespmem:$0x1E100] =	vst v63  }
0x183: {  	_ =	swait.ge [sflag:s9], $0x2800  }
0x184: {  	[sflag:s9] =	ssyncset.done $0x0  }
0x185: {  	s31 =	rddreg [dreg:$0x10];
	[sflag:s9] =	ssyncadd.s32 $0xFFFFD800  }
0x186: {  	[hbm4b:s31+s4] =	stream.linear.scatter [tilespmem:s15], [sflag:$0x2], $0x2800, $0x38;
	[tilespmem:$0x1E100] =	vst v63  }
0x187: {  	_ =	swait.ge [sflag:s9], $0x2800  }
0x188: {  	[sflag:s9] =	ssyncset.done $0x0  }
0x189: {  	[sflag:s9] =	ssyncadd.s32 $0xFFFFD800  }
0x18a: {  	[tilespmem:s15], [sflag:$0x2] =	stream.linear.gather [spmem:s5], $0x2800, $0x38;
	[tilespmem:$0x1E100] =	vst v63  }
0x18b: {  	_ =	swait.ge [sflag:s9], $0x2800  }
0x18c: {  	[sflag:s9] =	ssyncset.done $0x0  }
0x18d: {  	s25 =	rddreg [dreg:$0x11];
	[sflag:s9] =	ssyncadd.s32 $0xFFFFD800  }
0x18e: {  	[hbm4b:s25+s4] =	stream.linear.scatter [tilespmem:s15], [sflag:$0x2], $0x2800, $0x38;
	[tilespmem:$0x1E100] =	vst v63  }
0x18f: {  	_ =	swait.ge [sflag:s9], $0x2800  }
0x190: {  	[sflag:s9] =	ssyncset.done $0x0  }
0x191: {  	[sflag:s9] =	ssyncadd.s32 $0xFFFFD800  }
0x192: {  	[tilespmem:s15], [sflag:$0x2] =	stream.linear.gather [spmem:s6], $0x2800, $0x38;
	[tilespmem:$0x1E100] =	vst v63  }
0x193: {  	_ =	swait.ge [sflag:s9], $0x2800  }
0x194: {  	[sflag:s9] =	ssyncset.done $0x0  }
0x195: {  	s29 =	rddreg [dreg:$0x12];
	[sflag:s9] =	ssyncadd.s32 $0xFFFFD800  }
0x196: {  	[hbm4b:s29+s4] =	stream.linear.scatter [tilespmem:s15], [sflag:$0x2], $0x2800, $0x38;
	[tilespmem:$0x1E100] =	vst v63  }
0x197: {  	_ =	swait.ge [sflag:s9], $0x2800  }
0x198: {  	[sflag:s9] =	ssyncset.done $0x0  }
0x199: {  	[sflag:s9] =	ssyncadd.s32 $0xFFFFD800  }
0x19a: {  	[tilespmem:s15], [sflag:$0x2] =	stream.linear.gather [spmem:s7], $0x2800, $0x38;
	[tilespmem:$0x1E100] =	vst v63  }
0x19b: {  	_ =	swait.ge [sflag:s9], $0x2800  }
0x19c: {  	[sflag:s9] =	ssyncset.done $0x0  }
0x19d: {  	s30 =	rddreg [dreg:$0x13];
	[sflag:s9] =	ssyncadd.s32 $0xFFFFD800  }
0x19e: {  	[hbm4b:s30+s4] =	stream.linear.scatter [tilespmem:s15], [sflag:$0x2], $0x2800, $0x38;
	[tilespmem:$0x1E100] =	vst v63  }
0x19f: {  	_ =	swait.ge [sflag:s9], $0x2800  }
0x1a0: {  	s17 =	sadd.s32 $0x1, s17;
	s31 =	rddreg [dreg:$0x15]  }
0x1a1: {  	p0 =	sne.s32 s17, s31  }
.Ltmp4:
0x1a2: {  	_ = 	snop;
	(pc) =	sbr.rel @p0 .LBB2_1-.Ltmp4, $3  }
0x1a3: {  	_ =	sdelay $0x1  }
0x1a4: {  	[sflag:s9] =	ssyncset.done $0x0  }
0x1a5: {  	[sflag:s9] =	ssyncadd.s32 $0xFFFFD800  }
0x1a6: {  	_ =	sfence.sel $0x180000  }
0x1a7: {  	[bflag:$0x0] =	sbarrier.arrive $0xFFFF  }
0x1a8: {  	_ =	strace $0x90000047  }
0x1a9: {  	s0 =	stileid.u32;
	[bflag:$0x2] =	sbarrier.arrive $0xFFFF  }
0x1aa: {  	p0 =	sne.s32 s0, $0x0;
	s0 =	rddreg [dreg:$0x3]  }
0x1ab: {  	s0 =	sadd.s32 @!p0 $0x100000, s0  }
0x1ac: {  	[sflag:s0] =	ssyncadd.tile.s32 @!p0 $0x1;
	_ =	shalt  }
.Lfunc_end2:
_tile_overlayer_lowered:
.L_overlay_start_2:
0x1ad: {  	(tag) =	ssettag $0x2  }
0x1ae: {  	s0 =	rddreg [dreg:$0x0];
	s2 =	stileid.u32  }
0x1af: {  	s1 =	rddreg [dreg:$0x1];
	p0 =	sne.s32 s2, $0x0  }
0x1b0: {  	s3 =	rddreg [dreg:$0x2];
	[bflag:$0x3] =	sbarrier.arrive $0xFFFF;
	s2 =	simm.s32 @!p0 $0x1C02  }
0x1b1: {  	[timem:s3], [sflag:s2] =	dma.local @!p0 [hbm:s0], s1  }
0x1b2: {  	s0 =	simm.s32 @!p0 $0x2  }
0x1b3: {  	_ =	swait.ge @!p0 [sflag:s0], s1  }
0x1b4: {  	s1 =	ssub.s32 @!p0 $0x0, s1;
	[sflag:s0] =	ssyncset.done @!p0 $0x0  }
0x1b5: {  	[sflag:s0] =	ssyncadd.s32 @!p0 s1  }
0x1b6: {  	[bflag:$0x3] =	sbarrier.arrive $0xFFFF  }
0x1b7: {  	_ =	shalt  }

</sc_bundles>
